<compile_context>
chip_gen: v7x
topology: tpu7x:2x2x1
jax: 0.10.2.dev20260603
libtpu: 0.0.44.dev20260713+nightly
codegen_flags: <defaults>
</compile_context>

<pallas_src>
import functools

import jax
import jax.numpy as jnp
from jax import lax
from jax.experimental import pallas as pl
from jax.experimental.pallas import tpu as pltpu
from jax.experimental.pallas import tpu_sc as plsc

N = 8192
E = 8
D = 512
DH = D // 2
ROW = E + E * D

_info = plsc.get_sparse_core_info()
NC = _info.num_cores
NS = _info.num_subcores
L = _info.num_lanes
NW = NC * NS
TPT = N // NW
GT = 16
NG = TPT // GT
GSZ = GT * DH


def _sel_body(logits_ref, u_ref, off_ref):
    logits = logits_ref[...]
    u = u_ref[...]
    uc = jnp.clip(u, 1e-6, 1.0 - 1e-6)
    g = -jnp.log(-jnp.log(uc))
    s = logits + g
    m = jnp.max(s, axis=1, keepdims=True)
    lane = lax.broadcasted_iota(jnp.int32, s.shape, 1)
    sel = jnp.min(jnp.where(s == m, lane, E), axis=1, keepdims=True)
    n = (lax.broadcasted_iota(jnp.int32, (512, 1), 0)
         + 512 * pl.program_id(0))
    off_ref[...] = n * ROW + E + sel * D


def _selector_offsets(logits, u):
    return pl.pallas_call(
        _sel_body,
        grid=(N // 512,),
        in_specs=[
            pl.BlockSpec((512, E), lambda i: (i, 0)),
            pl.BlockSpec((512, E), lambda i: (i, 0)),
        ],
        out_specs=pl.BlockSpec((512, 1), lambda i: (i, 0)),
        out_shape=jax.ShapeDtypeStruct((N, 1), jnp.int32),
    )(logits, u)


@functools.partial(
    pl.kernel,
    mesh=plsc.VectorSubcoreMesh(core_axis_name="c", subcore_axis_name="s"),
    out_type=jax.ShapeDtypeStruct((N * DH,), jnp.float32),
    scratch_types=[
        pltpu.VMEM((TPT + L,), jnp.int32),
        pltpu.VMEM((4 * GT * D,), jnp.float32),
        pltpu.VMEM((2 * GSZ,), jnp.float32),
        pltpu.VMEM((2 * GSZ,), jnp.float32),
        pltpu.SemaphoreType.DMA,
        pltpu.SemaphoreType.DMA,
        pltpu.SemaphoreType.DMA,
        pltpu.SemaphoreType.DMA,
        pltpu.SemaphoreType.DMA,
        pltpu.SemaphoreType.DMA,
    ],
)
def _sc_gather(params_hbm, offs_hbm, eps_hbm, out_hbm,
               off_v, pbuf, ebuf, obuf,
               sem_p0, sem_p1, sem_e0, sem_e1, sem_o0, sem_o1):
    wid = lax.axis_index("s") * NC + lax.axis_index("c")
    base = wid * TPT

    pltpu.sync_copy(offs_hbm.at[pl.ds(base, TPT)], off_v.at[pl.ds(0, TPT)])

    def issue_param_group(g, sem):
        quarter = lax.rem(g, 4)

        def issue_one(tl, c):
            t = g * GT + tl
            off = pl.multiple_of(off_v[pl.ds(t, L)][0], 8)
            pltpu.make_async_copy(
                params_hbm.at[pl.ds(off, D)],
                pbuf.at[pl.ds((quarter * GT + tl) * D, D)], sem).start()
            return c

        lax.fori_loop(0, GT, issue_one, 0)

    def drain_param_group(sem):
        def wait_one(tl, c):
            pltpu.make_async_copy(
                params_hbm.at[pl.ds(0, D)],
                pbuf.at[pl.ds(0, D)], sem).wait()
            return c

        lax.fori_loop(0, GT, wait_one, 0)

    def issue_eps(g, sem):
        half = lax.rem(g, 2)
        pltpu.make_async_copy(
            eps_hbm.at[pl.ds((base + g * GT) * DH, GSZ)],
            ebuf.at[pl.ds(half * GSZ, GSZ)], sem).start()

    def wait_eps(sem):
        pltpu.make_async_copy(
            eps_hbm.at[pl.ds(0, GSZ)], ebuf.at[pl.ds(0, GSZ)], sem).wait()

    def issue_out(g, sem):
        half = lax.rem(g, 2)
        pltpu.make_async_copy(
            obuf.at[pl.ds(half * GSZ, GSZ)],
            out_hbm.at[pl.ds((base + g * GT) * DH, GSZ)], sem).start()

    def wait_out(sem):
        pltpu.make_async_copy(
            obuf.at[pl.ds(0, GSZ)],
            out_hbm.at[pl.ds(0, GSZ)], sem).wait()

    issue_param_group(0, sem_p0)
    issue_eps(0, sem_e0)
    issue_param_group(1, sem_p1)
    issue_eps(1, sem_e1)

    def even_half(g):
        drain_param_group(sem_p0)
        wait_eps(sem_e0)
        pl.when(g >= 2)(lambda: wait_out(sem_o0))

        def issue_next():
            issue_param_group(g + 2, sem_p0)
            issue_eps(g + 2, sem_e0)

        pl.when(g + 2 < NG)(issue_next)

    def odd_half(g):
        drain_param_group(sem_p1)
        wait_eps(sem_e1)
        pl.when(g >= 2)(lambda: wait_out(sem_o1))

        def issue_next():
            issue_param_group(g + 2, sem_p1)
            issue_eps(g + 2, sem_e1)

        pl.when(g + 2 < NG)(issue_next)

    def group_body(g, carry):
        parity = lax.rem(g, 2)
        pl.when(parity == 0)(lambda: even_half(g))
        pl.when(parity == 1)(lambda: odd_half(g))
        quarter = lax.rem(g, 4)
        half = parity

        def tok_body(tl, c):
            pslot = (quarter * GT + tl) * D
            eslot = half * GSZ + tl * DH
            for j in range(DH // L):
                mean = pbuf[pl.ds(pslot + j * L, L)]
                lstd = pbuf[pl.ds(pslot + DH + j * L, L)]
                ev = ebuf[pl.ds(eslot + j * L, L)]
                obuf[pl.ds(eslot + j * L, L)] = mean + ev * jnp.exp(lstd)
            return c

        lax.fori_loop(0, GT, tok_body, 0)
        pl.when(parity == 0)(lambda: issue_out(g, sem_o0))
        pl.when(parity == 1)(lambda: issue_out(g, sem_o1))
        return carry

    lax.fori_loop(0, NG, group_body, 0)
    wait_out(sem_o0)
    wait_out(sem_o1)


@jax.jit
def kernel(params, u, eps):
    logits = params[:, :E]
    offs = _selector_offsets(logits, u).reshape(N)
    out = _sc_gather(params.reshape(-1), offs, eps.reshape(-1))
    return out.reshape(N, DH)

# --- scband reference (transcript-rebuilt; emitter-appended) ---
"""Pipeline reference for scband-discrete-mixture-30219389895279 (READ-ONLY COPY).

The authoritative reference and input builder live on the scoring server;
editing this copy changes nothing except your own understanding.
"""

import jax, jax.numpy as jnp
import numpy as np

N = 8192   # tokens (batch 4 * seq 2048)
E = 8      # mixture components (selector categorical param_dims=[E])
D = 512    # sum(component.param_dims) = 256 (mean) + 256 (log-std)
DH = D // 2


def setup_inputs(seed: int = 0) -> dict:
    key = jax.random.key(seed)
    k1, k2, k3 = jax.random.split(key, 3)
    params = jax.random.normal(k1, (N, E + E * D), dtype=jnp.float32)
    u = jax.random.uniform(k2, (N, E), dtype=jnp.float32)
    eps = jax.random.normal(k3, (N, DH), dtype=jnp.float32)
    return {"params": params, "u": u, "eps": eps}


def reference(params, u, eps):
    # params.split(self.param_dims, dim=-1): first chunk is selector logits [N, E],
    # the remaining E chunks (each [N, D]) are per-component parameters.
    selector_params = params[:, :E]
    comp_chunks = params[:, E:].reshape(N, E, D)  # == torch.stack(params[1:]) laid out [N, E, D]

    # selector MC estimator: categorical sample via Gumbel-max over logits
    uc = jnp.clip(u, 1e-6, 1.0 - 1e-6)
    g = -jnp.log(-jnp.log(uc))
    selected_components = jnp.argmax(selector_params + g, axis=-1)  # int [N]

    # component_params = stacked[selected_components]: gather the chosen expert's
    # parameter chunk for every token (sparse gather over the expert axis)
    component_params = jnp.take_along_axis(
        comp_chunks, selected_components[:, None, None], axis=1
    )[:, 0, :]  # [N, D]

    # component MC estimator: reparameterized diagonal Gaussian sample
    mean = component_params[:, :DH]
    logstd = component_params[:, DH:]
    out = mean + eps * jnp.exp(logstd)
    return out

if __name__ == "__main__":
    import jax
    _d = setup_inputs()
    print(jax.jit(kernel)(*tuple(_d.values())))

</pallas_src>

<mosaic_0001>
#map = affine_map<(d0, d1) -> (0)>
module attributes {stable_mosaic.version = 14 : i64} {
  func.func @_sc_gather(%arg0: i32, %arg1: i32, %arg2: memref<33619968xf32, #tpu.memory_space<hbm>>, %arg3: memref<8192xi32, #tpu.memory_space<hbm>>, %arg4: memref<2097152xf32, #tpu.memory_space<hbm>>, %arg5: memref<2097152xf32, #tpu.memory_space<hbm>>, %arg6: memref<272xi32, #tpu.memory_space<vmem>>, %arg7: memref<32768xf32, #tpu.memory_space<vmem>>, %arg8: memref<8192xf32, #tpu.memory_space<vmem>>, %arg9: memref<8192xf32, #tpu.memory_space<vmem>>, %arg10: memref<!tpu.dma_semaphore, #tpu.memory_space<semaphore_mem>>, %arg11: memref<!tpu.dma_semaphore, #tpu.memory_space<semaphore_mem>>, %arg12: memref<!tpu.dma_semaphore, #tpu.memory_space<semaphore_mem>>, %arg13: memref<!tpu.dma_semaphore, #tpu.memory_space<semaphore_mem>>, %arg14: memref<!tpu.dma_semaphore, #tpu.memory_space<semaphore_mem>>, %arg15: memref<!tpu.dma_semaphore, #tpu.memory_space<semaphore_mem>>) attributes {dimension_semantics = [#tpu.dimension_semantics<core_parallel>, #tpu.dimension_semantics<subcore_parallel>], iteration_bounds = array<i64: 2, 16>, scalar_prefetch = 0 : i64, scratch_operands = 10 : i64, tpu.core_type = #tpu.core_type<sc_vector_subcore>, window_params = [{transform_indices = #map}, {transform_indices = #map}, {transform_indices = #map}, {transform_indices = #map}]} {
    %mul3A = arith.constant 2 : i32
    %mul3A_0 = arith.muli %arg1, %mul3A : i32
    %add3A = arith.addi %mul3A_0, %arg0 : i32
    %mul3A_1 = arith.constant 256 : i32
    %mul3A_2 = arith.muli %add3A, %mul3A_1 : i32
    "tpu.region"() ({
      %run_scoped3A = tpu.sem_alloc : memref<!tpu.dma_semaphore, #tpu.memory_space<semaphore_mem>>
      %dma_start3A_65 = arith.constant 0 : i32
      %dma_start3A_66 = tpu.memref_slice %arg6[%dma_start3A_65] : memref<272xi32, #tpu.memory_space<vmem>> -> memref<256xi32, #tpu.memory_space<vmem>>
      %dma_start3A_67 = tpu.memref_slice %arg3[%mul3A_2] : memref<8192xi32, #tpu.memory_space<hbm>> -> memref<256xi32, #tpu.memory_space<hbm>>
      %dma_start3A_68 = arith.constant 0 : i32
      %dma_start3A_69 = tpu.memref_slice %arg6[%dma_start3A_68] : memref<272xi32, #tpu.memory_space<vmem>> -> memref<256xi32, #tpu.memory_space<vmem>>
      %dma_start3A_70 = tpu.memref_slice %arg3[%mul3A_2] : memref<8192xi32, #tpu.memory_space<hbm>> -> memref<256xi32, #tpu.memory_space<hbm>>
      tpu.enqueue_dma source(%dma_start3A_70 : memref<256xi32, #tpu.memory_space<hbm>>) target(%dma_start3A_69 : memref<256xi32, #tpu.memory_space<vmem>>) target_semaphore(%run_scoped3A : memref<!tpu.dma_semaphore, #tpu.memory_space<semaphore_mem>>)
      %dma_wait3A_71 = arith.constant 0 : i32
      %dma_wait3A_72 = tpu.memref_slice %arg6[%dma_wait3A_71] : memref<272xi32, #tpu.memory_space<vmem>> -> memref<256xi32, #tpu.memory_space<vmem>>
      %dma_wait3A_73 = tpu.memref_slice %arg3[%mul3A_2] : memref<8192xi32, #tpu.memory_space<hbm>> -> memref<256xi32, #tpu.memory_space<hbm>>
      %dma_wait3A_74 = arith.constant 0 : i32
      %dma_wait3A_75 = tpu.memref_slice %arg6[%dma_wait3A_74] : memref<272xi32, #tpu.memory_space<vmem>> -> memref<256xi32, #tpu.memory_space<vmem>>
      %dma_wait3A_76 = tpu.memref_slice %arg3[%mul3A_2] : memref<8192xi32, #tpu.memory_space<hbm>> -> memref<256xi32, #tpu.memory_space<hbm>>
      tpu.wait_dma2 semaphore(%run_scoped3A : memref<!tpu.dma_semaphore, #tpu.memory_space<semaphore_mem>>) src(%dma_wait3A_76 : memref<256xi32, #tpu.memory_space<hbm>>) dst(%dma_wait3A_75 : memref<256xi32, #tpu.memory_space<vmem>>)
      tpu.yield
    }) : () -> ()
    %rem3A = arith.constant 0 : i32
    %rem3A_3 = arith.constant 4 : i32
    %rem3A_4 = arith.remsi %rem3A, %rem3A_3 : i32
    %scan3A = arith.constant 0 : i32
    %scan3A_5 = arith.constant 0 : i32
    %scan3A_6 = arith.constant 16 : i32
    %scan3A_7 = arith.addi %scan3A_5, %scan3A_6 : i32
    %scan3A_8 = arith.constant 1 : i32
    scf.for %scan3A_65 = %scan3A_5 to %scan3A_7 step %scan3A_8  : i32 {
      %add3A_66 = arith.constant 0 : i32
      %add3A_67 = arith.addi %add3A_66, %scan3A_65 : i32
      %get3A = arith.index_cast %add3A_67 : i32 to index
      %get3A_68 = tpu.vector_load %arg6[%get3A] {strides = array<i32>} : memref<272xi32, #tpu.memory_space<vmem>>, vector<16xi32>,
      %get3A_69 = vector.shape_cast %get3A_68 : vector<16xi32> to vector<16xi32>
      %slice3A = vector.extract_strided_slice %get3A_69 {offsets = [0], sizes = [1], strides = [1]} : vector<16xi32> to vector<1xi32>
      %squeeze3A = vector.extract %slice3A[0] : i32 from vector<1xi32>
      %multiple_of3A = tpu.assume_multiple %squeeze3A, 8 : i32
      %mul3A_70 = arith.constant 16 : i32
      %mul3A_71 = arith.muli %rem3A_4, %mul3A_70 : i32
      %add3A_72 = arith.addi %mul3A_71, %scan3A_65 : i32
      %mul3A_73 = arith.constant 512 : i32
      %mul3A_74 = arith.muli %add3A_72, %mul3A_73 : i32
      %dma_start3A_75 = tpu.memref_slice %arg7[%mul3A_74] : memref<32768xf32, #tpu.memory_space<vmem>> -> memref<512xf32, #tpu.memory_space<vmem>>
      %dma_start3A_76 = tpu.memref_slice %arg2[%multiple_of3A] : memref<33619968xf32, #tpu.memory_space<hbm>> -> memref<512xf32, #tpu.memory_space<hbm>>
      %dma_start3A_77 = tpu.memref_slice %arg7[%mul3A_74] : memref<32768xf32, #tpu.memory_space<vmem>> -> memref<512xf32, #tpu.memory_space<vmem>>
      %dma_start3A_78 = tpu.memref_slice %arg2[%multiple_of3A] : memref<33619968xf32, #tpu.memory_space<hbm>> -> memref<512xf32, #tpu.memory_space<hbm>>
      tpu.enqueue_dma source(%dma_start3A_78 : memref<512xf32, #tpu.memory_space<hbm>>) target(%dma_start3A_77 : memref<512xf32, #tpu.memory_space<vmem>>) target_semaphore(%arg10 : memref<!tpu.dma_semaphore, #tpu.memory_space<semaphore_mem>>)
    }
    %scan3A_9 = arith.constant 16 : i32
    %rem3A_10 = arith.constant 0 : i32
    %rem3A_11 = arith.constant 2 : i32
    %rem3A_12 = arith.remsi %rem3A_10, %rem3A_11 : i32
    %add3A_13 = arith.constant 0 : i32
    %add3A_14 = arith.addi %mul3A_2, %add3A_13 : i32
    %mul3A_15 = arith.constant 256 : i32
    %mul3A_16 = arith.muli %add3A_14, %mul3A_15 : i32
    %mul3A_17 = arith.constant 4096 : i32
    %mul3A_18 = arith.muli %rem3A_12, %mul3A_17 : i32
    %dma_start3A = tpu.memref_slice %arg8[%mul3A_18] : memref<8192xf32, #tpu.memory_space<vmem>> -> memref<4096xf32, #tpu.memory_space<vmem>>
    %dma_start3A_19 = tpu.memref_slice %arg4[%mul3A_16] : memref<2097152xf32, #tpu.memory_space<hbm>> -> memref<4096xf32, #tpu.memory_space<hbm>>
    %dma_start3A_20 = tpu.memref_slice %arg8[%mul3A_18] : memref<8192xf32, #tpu.memory_space<vmem>> -> memref<4096xf32, #tpu.memory_space<vmem>>
    %dma_start3A_21 = tpu.memref_slice %arg4[%mul3A_16] : memref<2097152xf32, #tpu.memory_space<hbm>> -> memref<4096xf32, #tpu.memory_space<hbm>>
    tpu.enqueue_dma source(%dma_start3A_21 : memref<4096xf32, #tpu.memory_space<hbm>>) target(%dma_start3A_20 : memref<4096xf32, #tpu.memory_space<vmem>>) target_semaphore(%arg12 : memref<!tpu.dma_semaphore, #tpu.memory_space<semaphore_mem>>)
    %rem3A_22 = arith.constant 1 : i32
    %rem3A_23 = arith.constant 4 : i32
    %rem3A_24 = arith.remsi %rem3A_22, %rem3A_23 : i32
    %scan3A_25 = arith.constant 0 : i32
    %scan3A_26 = arith.constant 0 : i32
    %scan3A_27 = arith.constant 16 : i32
    %scan3A_28 = arith.addi %scan3A_26, %scan3A_27 : i32
    %scan3A_29 = arith.constant 1 : i32
    scf.for %scan3A_65 = %scan3A_26 to %scan3A_28 step %scan3A_29  : i32 {
      %add3A_66 = arith.constant 16 : i32
      %add3A_67 = arith.addi %add3A_66, %scan3A_65 : i32
      %get3A = arith.index_cast %add3A_67 : i32 to index
      %get3A_68 = tpu.vector_load %arg6[%get3A] {strides = array<i32>} : memref<272xi32, #tpu.memory_space<vmem>>, vector<16xi32>,
      %get3A_69 = vector.shape_cast %get3A_68 : vector<16xi32> to vector<16xi32>
      %slice3A = vector.extract_strided_slice %get3A_69 {offsets = [0], sizes = [1], strides = [1]} : vector<16xi32> to vector<1xi32>
      %squeeze3A = vector.extract %slice3A[0] : i32 from vector<1xi32>
      %multiple_of3A = tpu.assume_multiple %squeeze3A, 8 : i32
      %mul3A_70 = arith.constant 16 : i32
      %mul3A_71 = arith.muli %rem3A_24, %mul3A_70 : i32
      %add3A_72 = arith.addi %mul3A_71, %scan3A_65 : i32
      %mul3A_73 = arith.constant 512 : i32
      %mul3A_74 = arith.muli %add3A_72, %mul3A_73 : i32
      %dma_start3A_75 = tpu.memref_slice %arg7[%mul3A_74] : memref<32768xf32, #tpu.memory_space<vmem>> -> memref<512xf32, #tpu.memory_space<vmem>>
      %dma_start3A_76 = tpu.memref_slice %arg2[%multiple_of3A] : memref<33619968xf32, #tpu.memory_space<hbm>> -> memref<512xf32, #tpu.memory_space<hbm>>
      %dma_start3A_77 = tpu.memref_slice %arg7[%mul3A_74] : memref<32768xf32, #tpu.memory_space<vmem>> -> memref<512xf32, #tpu.memory_space<vmem>>
      %dma_start3A_78 = tpu.memref_slice %arg2[%multiple_of3A] : memref<33619968xf32, #tpu.memory_space<hbm>> -> memref<512xf32, #tpu.memory_space<hbm>>
      tpu.enqueue_dma source(%dma_start3A_78 : memref<512xf32, #tpu.memory_space<hbm>>) target(%dma_start3A_77 : memref<512xf32, #tpu.memory_space<vmem>>) target_semaphore(%arg11 : memref<!tpu.dma_semaphore, #tpu.memory_space<semaphore_mem>>)
    }
    %scan3A_30 = arith.constant 16 : i32
    %rem3A_31 = arith.constant 1 : i32
    %rem3A_32 = arith.constant 2 : i32
    %rem3A_33 = arith.remsi %rem3A_31, %rem3A_32 : i32
    %add3A_34 = arith.constant 16 : i32
    %add3A_35 = arith.addi %mul3A_2, %add3A_34 : i32
    %mul3A_36 = arith.constant 256 : i32
    %mul3A_37 = arith.muli %add3A_35, %mul3A_36 : i32
    %mul3A_38 = arith.constant 4096 : i32
    %mul3A_39 = arith.muli %rem3A_33, %mul3A_38 : i32
    %dma_start3A_40 = tpu.memref_slice %arg8[%mul3A_39] : memref<8192xf32, #tpu.memory_space<vmem>> -> memref<4096xf32, #tpu.memory_space<vmem>>
    %dma_start3A_41 = tpu.memref_slice %arg4[%mul3A_37] : memref<2097152xf32, #tpu.memory_space<hbm>> -> memref<4096xf32, #tpu.memory_space<hbm>>
    %dma_start3A_42 = tpu.memref_slice %arg8[%mul3A_39] : memref<8192xf32, #tpu.memory_space<vmem>> -> memref<4096xf32, #tpu.memory_space<vmem>>
    %dma_start3A_43 = tpu.memref_slice %arg4[%mul3A_37] : memref<2097152xf32, #tpu.memory_space<hbm>> -> memref<4096xf32, #tpu.memory_space<hbm>>
    tpu.enqueue_dma source(%dma_start3A_43 : memref<4096xf32, #tpu.memory_space<hbm>>) target(%dma_start3A_42 : memref<4096xf32, #tpu.memory_space<vmem>>) target_semaphore(%arg13 : memref<!tpu.dma_semaphore, #tpu.memory_space<semaphore_mem>>)
    %scan3A_44 = arith.constant 0 : i32
    %scan3A_45 = arith.constant 0 : i32
    %scan3A_46 = arith.constant 16 : i32
    %scan3A_47 = arith.addi %scan3A_45, %scan3A_46 : i32
    %scan3A_48 = arith.constant 1 : i32
    scf.for %scan3A_65 = %scan3A_45 to %scan3A_47 step %scan3A_48  : i32 {
      %rem3A_66 = arith.constant 2 : i32
      %rem3A_67 = arith.remsi %scan3A_65, %rem3A_66 : i32
      %eq3A = arith.constant 0 : i32
      %eq3A_68 = arith.cmpi eq, %rem3A_67, %eq3A : i32
      %convert_element_type3A = arith.extui %eq3A_68 : i1 to i32
      %cond3A = arith.constant 0 : i32
      %cond3A_69 = arith.cmpi ne, %convert_element_type3A, %cond3A : i32
      scf.if %cond3A_69 {
        %scan3A_93 = arith.constant 0 : i32
        %scan3A_94 = arith.constant 0 : i32
        %scan3A_95 = arith.constant 16 : i32
        %scan3A_96 = arith.addi %scan3A_94, %scan3A_95 : i32
        %scan3A_97 = arith.constant 1 : i32
        scf.for %scan3A_117 = %scan3A_94 to %scan3A_96 step %scan3A_97  : i32 {
          %dma_wait3A_118 = arith.constant 0 : i32
          %dma_wait3A_119 = tpu.memref_slice %arg7[%dma_wait3A_118] : memref<32768xf32, #tpu.memory_space<vmem>> -> memref<512xf32, #tpu.memory_space<vmem>>
          %dma_wait3A_120 = arith.constant 0 : i32
          %dma_wait3A_121 = tpu.memref_slice %arg2[%dma_wait3A_120] : memref<33619968xf32, #tpu.memory_space<hbm>> -> memref<512xf32, #tpu.memory_space<hbm>>
          %dma_wait3A_122 = arith.constant 0 : i32
          %dma_wait3A_123 = tpu.memref_slice %arg7[%dma_wait3A_122] : memref<32768xf32, #tpu.memory_space<vmem>> -> memref<512xf32, #tpu.memory_space<vmem>>
          %dma_wait3A_124 = arith.constant 0 : i32
          %dma_wait3A_125 = tpu.memref_slice %arg2[%dma_wait3A_124] : memref<33619968xf32, #tpu.memory_space<hbm>> -> memref<512xf32, #tpu.memory_space<hbm>>
          tpu.wait_dma2 semaphore(%arg10 : memref<!tpu.dma_semaphore, #tpu.memory_space<semaphore_mem>>) src(%dma_wait3A_125 : memref<512xf32, #tpu.memory_space<hbm>>) dst(%dma_wait3A_123 : memref<512xf32, #tpu.memory_space<vmem>>)
        }
        %scan3A_98 = arith.constant 16 : i32
        %dma_wait3A_99 = arith.constant 0 : i32
        %dma_wait3A_100 = tpu.memref_slice %arg8[%dma_wait3A_99] : memref<8192xf32, #tpu.memory_space<vmem>> -> memref<4096xf32, #tpu.memory_space<vmem>>
        %dma_wait3A_101 = arith.constant 0 : i32
        %dma_wait3A_102 = tpu.memref_slice %arg4[%dma_wait3A_101] : memref<2097152xf32, #tpu.memory_space<hbm>> -> memref<4096xf32, #tpu.memory_space<hbm>>
        %dma_wait3A_103 = arith.constant 0 : i32
        %dma_wait3A_104 = tpu.memref_slice %arg8[%dma_wait3A_103] : memref<8192xf32, #tpu.memory_space<vmem>> -> memref<4096xf32, #tpu.memory_space<vmem>>
        %dma_wait3A_105 = arith.constant 0 : i32
        %dma_wait3A_106 = tpu.memref_slice %arg4[%dma_wait3A_105] : memref<2097152xf32, #tpu.memory_space<hbm>> -> memref<4096xf32, #tpu.memory_space<hbm>>
        tpu.wait_dma2 semaphore(%arg12 : memref<!tpu.dma_semaphore, #tpu.memory_space<semaphore_mem>>) src(%dma_wait3A_106 : memref<4096xf32, #tpu.memory_space<hbm>>) dst(%dma_wait3A_104 : memref<4096xf32, #tpu.memory_space<vmem>>)
        %ge3A = arith.constant 2 : i32
        %ge3A_107 = arith.cmpi sge, %scan3A_65, %ge3A : i32
        %convert_element_type3A_108 = arith.extui %ge3A_107 : i1 to i32
        %cond3A_109 = arith.constant 0 : i32
        %cond3A_110 = arith.cmpi ne, %convert_element_type3A_108, %cond3A_109 : i32
        scf.if %cond3A_110 {
          %dma_wait3A_117 = arith.constant 0 : i32
          %dma_wait3A_118 = tpu.memref_slice %arg9[%dma_wait3A_117] : memref<8192xf32, #tpu.memory_space<vmem>> -> memref<4096xf32, #tpu.memory_space<vmem>>
          %dma_wait3A_119 = arith.constant 0 : i32
          %dma_wait3A_120 = tpu.memref_slice %arg5[%dma_wait3A_119] : memref<2097152xf32, #tpu.memory_space<hbm>> -> memref<4096xf32, #tpu.memory_space<hbm>>
          %dma_wait3A_121 = arith.constant 0 : i32
          %dma_wait3A_122 = tpu.memref_slice %arg5[%dma_wait3A_121] : memref<2097152xf32, #tpu.memory_space<hbm>> -> memref<4096xf32, #tpu.memory_space<hbm>>
          %dma_wait3A_123 = arith.constant 0 : i32
          %dma_wait3A_124 = tpu.memref_slice %arg9[%dma_wait3A_123] : memref<8192xf32, #tpu.memory_space<vmem>> -> memref<4096xf32, #tpu.memory_space<vmem>>
          tpu.wait_dma2 semaphore(%arg14 : memref<!tpu.dma_semaphore, #tpu.memory_space<semaphore_mem>>) src(%dma_wait3A_124 : memref<4096xf32, #tpu.memory_space<vmem>>) dst(%dma_wait3A_122 : memref<4096xf32, #tpu.memory_space<hbm>>)
        } else {
        }
        %add3A_111 = arith.constant 2 : i32
        %add3A_112 = arith.addi %scan3A_65, %add3A_111 : i32
        %lt3A = arith.constant 16 : i32
        %lt3A_113 = arith.cmpi slt, %add3A_112, %lt3A : i32
        %convert_element_type3A_114 = arith.extui %lt3A_113 : i1 to i32
        %cond3A_115 = arith.constant 0 : i32
        %cond3A_116 = arith.cmpi ne, %convert_element_type3A_114, %cond3A_115 : i32
        scf.if %cond3A_116 {
          %add3A_117 = arith.constant 2 : i32
          %add3A_118 = arith.addi %scan3A_65, %add3A_117 : i32
          %rem3A_119 = arith.constant 4 : i32
          %rem3A_120 = arith.remsi %add3A_118, %rem3A_119 : i32
          %scan3A_121 = arith.constant 0 : i32
          %scan3A_122 = arith.constant 0 : i32
          %scan3A_123 = arith.constant 16 : i32
          %scan3A_124 = arith.addi %scan3A_122, %scan3A_123 : i32
          %scan3A_125 = arith.constant 1 : i32
          scf.for %scan3A_142 = %scan3A_122 to %scan3A_124 step %scan3A_125  : i32 {
            %mul3A_143 = arith.constant 16 : i32
            %mul3A_144 = arith.muli %add3A_118, %mul3A_143 : i32
            %add3A_145 = arith.addi %mul3A_144, %scan3A_142 : i32
            %get3A = arith.index_cast %add3A_145 : i32 to index
            %get3A_146 = tpu.vector_load %arg6[%get3A] {strides = array<i32>} : memref<272xi32, #tpu.memory_space<vmem>>, vector<16xi32>,
            %get3A_147 = vector.shape_cast %get3A_146 : vector<16xi32> to vector<16xi32>
            %slice3A = vector.extract_strided_slice %get3A_147 {offsets = [0], sizes = [1], strides = [1]} : vector<16xi32> to vector<1xi32>
            %squeeze3A = vector.extract %slice3A[0] : i32 from vector<1xi32>
            %multiple_of3A = tpu.assume_multiple %squeeze3A, 8 : i32
            %mul3A_148 = arith.constant 16 : i32
            %mul3A_149 = arith.muli %rem3A_120, %mul3A_148 : i32
            %add3A_150 = arith.addi %mul3A_149, %scan3A_142 : i32
            %mul3A_151 = arith.constant 512 : i32
            %mul3A_152 = arith.muli %add3A_150, %mul3A_151 : i32
            %dma_start3A_153 = tpu.memref_slice %arg7[%mul3A_152] : memref<32768xf32, #tpu.memory_space<vmem>> -> memref<512xf32, #tpu.memory_space<vmem>>
            %dma_start3A_154 = tpu.memref_slice %arg2[%multiple_of3A] : memref<33619968xf32, #tpu.memory_space<hbm>> -> memref<512xf32, #tpu.memory_space<hbm>>
            %dma_start3A_155 = tpu.memref_slice %arg7[%mul3A_152] : memref<32768xf32, #tpu.memory_space<vmem>> -> memref<512xf32, #tpu.memory_space<vmem>>
            %dma_start3A_156 = tpu.memref_slice %arg2[%multiple_of3A] : memref<33619968xf32, #tpu.memory_space<hbm>> -> memref<512xf32, #tpu.memory_space<hbm>>
            tpu.enqueue_dma source(%dma_start3A_156 : memref<512xf32, #tpu.memory_space<hbm>>) target(%dma_start3A_155 : memref<512xf32, #tpu.memory_space<vmem>>) target_semaphore(%arg10 : memref<!tpu.dma_semaphore, #tpu.memory_space<semaphore_mem>>)
          }
          %scan3A_126 = arith.constant 16 : i32
          %add3A_127 = arith.constant 2 : i32
          %add3A_128 = arith.addi %scan3A_65, %add3A_127 : i32
          %rem3A_129 = arith.constant 2 : i32
          %rem3A_130 = arith.remsi %add3A_128, %rem3A_129 : i32
          %mul3A_131 = arith.constant 16 : i32
          %mul3A_132 = arith.muli %add3A_128, %mul3A_131 : i32
          %add3A_133 = arith.addi %mul3A_2, %mul3A_132 : i32
          %mul3A_134 = arith.constant 256 : i32
          %mul3A_135 = arith.muli %add3A_133, %mul3A_134 : i32
          %mul3A_136 = arith.constant 4096 : i32
          %mul3A_137 = arith.muli %rem3A_130, %mul3A_136 : i32
          %dma_start3A_138 = tpu.memref_slice %arg8[%mul3A_137] : memref<8192xf32, #tpu.memory_space<vmem>> -> memref<4096xf32, #tpu.memory_space<vmem>>
          %dma_start3A_139 = tpu.memref_slice %arg4[%mul3A_135] : memref<2097152xf32, #tpu.memory_space<hbm>> -> memref<4096xf32, #tpu.memory_space<hbm>>
          %dma_start3A_140 = tpu.memref_slice %arg8[%mul3A_137] : memref<8192xf32, #tpu.memory_space<vmem>> -> memref<4096xf32, #tpu.memory_space<vmem>>
          %dma_start3A_141 = tpu.memref_slice %arg4[%mul3A_135] : memref<2097152xf32, #tpu.memory_space<hbm>> -> memref<4096xf32, #tpu.memory_space<hbm>>
          tpu.enqueue_dma source(%dma_start3A_141 : memref<4096xf32, #tpu.memory_space<hbm>>) target(%dma_start3A_140 : memref<4096xf32, #tpu.memory_space<vmem>>) target_semaphore(%arg12 : memref<!tpu.dma_semaphore, #tpu.memory_space<semaphore_mem>>)
        } else {
        }
      } else {
      }
      %eq3A_70 = arith.constant 1 : i32
      %eq3A_71 = arith.cmpi eq, %rem3A_67, %eq3A_70 : i32
      %convert_element_type3A_72 = arith.extui %eq3A_71 : i1 to i32
      %cond3A_73 = arith.constant 0 : i32
      %cond3A_74 = arith.cmpi ne, %convert_element_type3A_72, %cond3A_73 : i32
      scf.if %cond3A_74 {
        %scan3A_93 = arith.constant 0 : i32
        %scan3A_94 = arith.constant 0 : i32
        %scan3A_95 = arith.constant 16 : i32
        %scan3A_96 = arith.addi %scan3A_94, %scan3A_95 : i32
        %scan3A_97 = arith.constant 1 : i32
        scf.for %scan3A_117 = %scan3A_94 to %scan3A_96 step %scan3A_97  : i32 {
          %dma_wait3A_118 = arith.constant 0 : i32
          %dma_wait3A_119 = tpu.memref_slice %arg7[%dma_wait3A_118] : memref<32768xf32, #tpu.memory_space<vmem>> -> memref<512xf32, #tpu.memory_space<vmem>>
          %dma_wait3A_120 = arith.constant 0 : i32
          %dma_wait3A_121 = tpu.memref_slice %arg2[%dma_wait3A_120] : memref<33619968xf32, #tpu.memory_space<hbm>> -> memref<512xf32, #tpu.memory_space<hbm>>
          %dma_wait3A_122 = arith.constant 0 : i32
          %dma_wait3A_123 = tpu.memref_slice %arg7[%dma_wait3A_122] : memref<32768xf32, #tpu.memory_space<vmem>> -> memref<512xf32, #tpu.memory_space<vmem>>
          %dma_wait3A_124 = arith.constant 0 : i32
          %dma_wait3A_125 = tpu.memref_slice %arg2[%dma_wait3A_124] : memref<33619968xf32, #tpu.memory_space<hbm>> -> memref<512xf32, #tpu.memory_space<hbm>>
          tpu.wait_dma2 semaphore(%arg11 : memref<!tpu.dma_semaphore, #tpu.memory_space<semaphore_mem>>) src(%dma_wait3A_125 : memref<512xf32, #tpu.memory_space<hbm>>) dst(%dma_wait3A_123 : memref<512xf32, #tpu.memory_space<vmem>>)
        }
        %scan3A_98 = arith.constant 16 : i32
        %dma_wait3A_99 = arith.constant 0 : i32
        %dma_wait3A_100 = tpu.memref_slice %arg8[%dma_wait3A_99] : memref<8192xf32, #tpu.memory_space<vmem>> -> memref<4096xf32, #tpu.memory_space<vmem>>
        %dma_wait3A_101 = arith.constant 0 : i32
        %dma_wait3A_102 = tpu.memref_slice %arg4[%dma_wait3A_101] : memref<2097152xf32, #tpu.memory_space<hbm>> -> memref<4096xf32, #tpu.memory_space<hbm>>
        %dma_wait3A_103 = arith.constant 0 : i32
        %dma_wait3A_104 = tpu.memref_slice %arg8[%dma_wait3A_103] : memref<8192xf32, #tpu.memory_space<vmem>> -> memref<4096xf32, #tpu.memory_space<vmem>>
        %dma_wait3A_105 = arith.constant 0 : i32
        %dma_wait3A_106 = tpu.memref_slice %arg4[%dma_wait3A_105] : memref<2097152xf32, #tpu.memory_space<hbm>> -> memref<4096xf32, #tpu.memory_space<hbm>>
        tpu.wait_dma2 semaphore(%arg13 : memref<!tpu.dma_semaphore, #tpu.memory_space<semaphore_mem>>) src(%dma_wait3A_106 : memref<4096xf32, #tpu.memory_space<hbm>>) dst(%dma_wait3A_104 : memref<4096xf32, #tpu.memory_space<vmem>>)
        %ge3A = arith.constant 2 : i32
        %ge3A_107 = arith.cmpi sge, %scan3A_65, %ge3A : i32
        %convert_element_type3A_108 = arith.extui %ge3A_107 : i1 to i32
        %cond3A_109 = arith.constant 0 : i32
        %cond3A_110 = arith.cmpi ne, %convert_element_type3A_108, %cond3A_109 : i32
        scf.if %cond3A_110 {
          %dma_wait3A_117 = arith.constant 0 : i32
          %dma_wait3A_118 = tpu.memref_slice %arg9[%dma_wait3A_117] : memref<8192xf32, #tpu.memory_space<vmem>> -> memref<4096xf32, #tpu.memory_space<vmem>>
          %dma_wait3A_119 = arith.constant 0 : i32
          %dma_wait3A_120 = tpu.memref_slice %arg5[%dma_wait3A_119] : memref<2097152xf32, #tpu.memory_space<hbm>> -> memref<4096xf32, #tpu.memory_space<hbm>>
          %dma_wait3A_121 = arith.constant 0 : i32
          %dma_wait3A_122 = tpu.memref_slice %arg5[%dma_wait3A_121] : memref<2097152xf32, #tpu.memory_space<hbm>> -> memref<4096xf32, #tpu.memory_space<hbm>>
          %dma_wait3A_123 = arith.constant 0 : i32
          %dma_wait3A_124 = tpu.memref_slice %arg9[%dma_wait3A_123] : memref<8192xf32, #tpu.memory_space<vmem>> -> memref<4096xf32, #tpu.memory_space<vmem>>
          tpu.wait_dma2 semaphore(%arg15 : memref<!tpu.dma_semaphore, #tpu.memory_space<semaphore_mem>>) src(%dma_wait3A_124 : memref<4096xf32, #tpu.memory_space<vmem>>) dst(%dma_wait3A_122 : memref<4096xf32, #tpu.memory_space<hbm>>)
        } else {
        }
        %add3A_111 = arith.constant 2 : i32
        %add3A_112 = arith.addi %scan3A_65, %add3A_111 : i32
        %lt3A = arith.constant 16 : i32
        %lt3A_113 = arith.cmpi slt, %add3A_112, %lt3A : i32
        %convert_element_type3A_114 = arith.extui %lt3A_113 : i1 to i32
        %cond3A_115 = arith.constant 0 : i32
        %cond3A_116 = arith.cmpi ne, %convert_element_type3A_114, %cond3A_115 : i32
        scf.if %cond3A_116 {
          %add3A_117 = arith.constant 2 : i32
          %add3A_118 = arith.addi %scan3A_65, %add3A_117 : i32
          %rem3A_119 = arith.constant 4 : i32
          %rem3A_120 = arith.remsi %add3A_118, %rem3A_119 : i32
          %scan3A_121 = arith.constant 0 : i32
          %scan3A_122 = arith.constant 0 : i32
          %scan3A_123 = arith.constant 16 : i32
          %scan3A_124 = arith.addi %scan3A_122, %scan3A_123 : i32
          %scan3A_125 = arith.constant 1 : i32
          scf.for %scan3A_142 = %scan3A_122 to %scan3A_124 step %scan3A_125  : i32 {
            %mul3A_143 = arith.constant 16 : i32
            %mul3A_144 = arith.muli %add3A_118, %mul3A_143 : i32
            %add3A_145 = arith.addi %mul3A_144, %scan3A_142 : i32
            %get3A = arith.index_cast %add3A_145 : i32 to index
            %get3A_146 = tpu.vector_load %arg6[%get3A] {strides = array<i32>} : memref<272xi32, #tpu.memory_space<vmem>>, vector<16xi32>,
            %get3A_147 = vector.shape_cast %get3A_146 : vector<16xi32> to vector<16xi32>
            %slice3A = vector.extract_strided_slice %get3A_147 {offsets = [0], sizes = [1], strides = [1]} : vector<16xi32> to vector<1xi32>
            %squeeze3A = vector.extract %slice3A[0] : i32 from vector<1xi32>
            %multiple_of3A = tpu.assume_multiple %squeeze3A, 8 : i32
            %mul3A_148 = arith.constant 16 : i32
            %mul3A_149 = arith.muli %rem3A_120, %mul3A_148 : i32
            %add3A_150 = arith.addi %mul3A_149, %scan3A_142 : i32
            %mul3A_151 = arith.constant 512 : i32
            %mul3A_152 = arith.muli %add3A_150, %mul3A_151 : i32
            %dma_start3A_153 = tpu.memref_slice %arg7[%mul3A_152] : memref<32768xf32, #tpu.memory_space<vmem>> -> memref<512xf32, #tpu.memory_space<vmem>>
            %dma_start3A_154 = tpu.memref_slice %arg2[%multiple_of3A] : memref<33619968xf32, #tpu.memory_space<hbm>> -> memref<512xf32, #tpu.memory_space<hbm>>
            %dma_start3A_155 = tpu.memref_slice %arg7[%mul3A_152] : memref<32768xf32, #tpu.memory_space<vmem>> -> memref<512xf32, #tpu.memory_space<vmem>>
            %dma_start3A_156 = tpu.memref_slice %arg2[%multiple_of3A] : memref<33619968xf32, #tpu.memory_space<hbm>> -> memref<512xf32, #tpu.memory_space<hbm>>
            tpu.enqueue_dma source(%dma_start3A_156 : memref<512xf32, #tpu.memory_space<hbm>>) target(%dma_start3A_155 : memref<512xf32, #tpu.memory_space<vmem>>) target_semaphore(%arg11 : memref<!tpu.dma_semaphore, #tpu.memory_space<semaphore_mem>>)
          }
          %scan3A_126 = arith.constant 16 : i32
          %add3A_127 = arith.constant 2 : i32
          %add3A_128 = arith.addi %scan3A_65, %add3A_127 : i32
          %rem3A_129 = arith.constant 2 : i32
          %rem3A_130 = arith.remsi %add3A_128, %rem3A_129 : i32
          %mul3A_131 = arith.constant 16 : i32
          %mul3A_132 = arith.muli %add3A_128, %mul3A_131 : i32
          %add3A_133 = arith.addi %mul3A_2, %mul3A_132 : i32
          %mul3A_134 = arith.constant 256 : i32
          %mul3A_135 = arith.muli %add3A_133, %mul3A_134 : i32
          %mul3A_136 = arith.constant 4096 : i32
          %mul3A_137 = arith.muli %rem3A_130, %mul3A_136 : i32
          %dma_start3A_138 = tpu.memref_slice %arg8[%mul3A_137] : memref<8192xf32, #tpu.memory_space<vmem>> -> memref<4096xf32, #tpu.memory_space<vmem>>
          %dma_start3A_139 = tpu.memref_slice %arg4[%mul3A_135] : memref<2097152xf32, #tpu.memory_space<hbm>> -> memref<4096xf32, #tpu.memory_space<hbm>>
          %dma_start3A_140 = tpu.memref_slice %arg8[%mul3A_137] : memref<8192xf32, #tpu.memory_space<vmem>> -> memref<4096xf32, #tpu.memory_space<vmem>>
          %dma_start3A_141 = tpu.memref_slice %arg4[%mul3A_135] : memref<2097152xf32, #tpu.memory_space<hbm>> -> memref<4096xf32, #tpu.memory_space<hbm>>
          tpu.enqueue_dma source(%dma_start3A_141 : memref<4096xf32, #tpu.memory_space<hbm>>) target(%dma_start3A_140 : memref<4096xf32, #tpu.memory_space<vmem>>) target_semaphore(%arg13 : memref<!tpu.dma_semaphore, #tpu.memory_space<semaphore_mem>>)
        } else {
        }
      } else {
      }
      %rem3A_75 = arith.constant 4 : i32
      %rem3A_76 = arith.remsi %scan3A_65, %rem3A_75 : i32
      %scan3A_77 = arith.constant 0 : i32
      %scan3A_78 = arith.constant 0 : i32
      %scan3A_79 = arith.constant 16 : i32
      %scan3A_80 = arith.addi %scan3A_78, %scan3A_79 : i32
      %scan3A_81 = arith.constant 1 : i32
      scf.for %scan3A_93 = %scan3A_78 to %scan3A_80 step %scan3A_81  : i32 {
        %mul3A_94 = arith.constant 16 : i32
        %mul3A_95 = arith.muli %rem3A_76, %mul3A_94 : i32
        %add3A_96 = arith.addi %mul3A_95, %scan3A_93 : i32
        %mul3A_97 = arith.constant 512 : i32
        %mul3A_98 = arith.muli %add3A_96, %mul3A_97 : i32
        %mul3A_99 = arith.constant 4096 : i32
        %mul3A_100 = arith.muli %rem3A_67, %mul3A_99 : i32
        %mul3A_101 = arith.constant 256 : i32
        %mul3A_102 = arith.muli %scan3A_93, %mul3A_101 : i32
        %add3A_103 = arith.addi %mul3A_100, %mul3A_102 : i32
        %add3A_104 = arith.constant 0 : i32
        %add3A_105 = arith.addi %mul3A_98, %add3A_104 : i32
        %get3A = arith.index_cast %add3A_105 : i32 to index
        %get3A_106 = tpu.vector_load %arg7[%get3A] {strides = array<i32>} : memref<32768xf32, #tpu.memory_space<vmem>>, vector<16xf32>,
        %get3A_107 = vector.shape_cast %get3A_106 : vector<16xf32> to vector<16xf32>
        %add3A_108 = arith.constant 256 : i32
        %add3A_109 = arith.addi %mul3A_98, %add3A_108 : i32
        %add3A_110 = arith.constant 0 : i32
        %add3A_111 = arith.addi %add3A_109, %add3A_110 : i32
        %get3A_112 = arith.index_cast %add3A_111 : i32 to index
        %get3A_113 = tpu.vector_load %arg7[%get3A_112] {strides = array<i32>} : memref<32768xf32, #tpu.memory_space<vmem>>, vector<16xf32>,
        %get3A_114 = vector.shape_cast %get3A_113 : vector<16xf32> to vector<16xf32>
        %add3A_115 = arith.constant 0 : i32
        %add3A_116 = arith.addi %add3A_103, %add3A_115 : i32
        %get3A_117 = arith.index_cast %add3A_116 : i32 to index
        %get3A_118 = tpu.vector_load %arg8[%get3A_117] {strides = array<i32>} : memref<8192xf32, #tpu.memory_space<vmem>>, vector<16xf32>,
        %get3A_119 = vector.shape_cast %get3A_118 : vector<16xf32> to vector<16xf32>
        %exp3A = math.exp %get3A_114 : vector<16xf32>
        %mul3A_120 = arith.mulf %get3A_119, %exp3A : vector<16xf32>
        %add3A_121 = arith.addf %get3A_107, %mul3A_120 : vector<16xf32>
        %add3A_122 = arith.constant 0 : i32
        %add3A_123 = arith.addi %add3A_103, %add3A_122 : i32
        %swap3A = arith.index_cast %add3A_123 : i32 to index
        %swap3A_124 = tpu.vector_load %arg9[%swap3A] {strides = array<i32>} : memref<8192xf32, #tpu.memory_space<vmem>>, vector<16xf32>,
        %swap3A_125 = vector.shape_cast %swap3A_124 : vector<16xf32> to vector<16xf32>
        %swap3A_126 = vector.shape_cast %add3A_121 : vector<16xf32> to vector<16xf32>
        tpu.vector_store %arg9[%swap3A], %swap3A_126 {strides = array<i32>} : memref<8192xf32, #tpu.memory_space<vmem>>, vector<16xf32>,
        %add3A_127 = arith.constant 16 : i32
        %add3A_128 = arith.addi %mul3A_98, %add3A_127 : i32
        %get3A_129 = arith.index_cast %add3A_128 : i32 to index
        %get3A_130 = tpu.vector_load %arg7[%get3A_129] {strides = array<i32>} : memref<32768xf32, #tpu.memory_space<vmem>>, vector<16xf32>,
        %get3A_131 = vector.shape_cast %get3A_130 : vector<16xf32> to vector<16xf32>
        %add3A_132 = arith.constant 256 : i32
        %add3A_133 = arith.addi %mul3A_98, %add3A_132 : i32
        %add3A_134 = arith.constant 16 : i32
        %add3A_135 = arith.addi %add3A_133, %add3A_134 : i32
        %get3A_136 = arith.index_cast %add3A_135 : i32 to index
        %get3A_137 = tpu.vector_load %arg7[%get3A_136] {strides = array<i32>} : memref<32768xf32, #tpu.memory_space<vmem>>, vector<16xf32>,
        %get3A_138 = vector.shape_cast %get3A_137 : vector<16xf32> to vector<16xf32>
        %add3A_139 = arith.constant 16 : i32
        %add3A_140 = arith.addi %add3A_103, %add3A_139 : i32
        %get3A_141 = arith.index_cast %add3A_140 : i32 to index
        %get3A_142 = tpu.vector_load %arg8[%get3A_141] {strides = array<i32>} : memref<8192xf32, #tpu.memory_space<vmem>>, vector<16xf32>,
        %get3A_143 = vector.shape_cast %get3A_142 : vector<16xf32> to vector<16xf32>
        %exp3A_144 = math.exp %get3A_138 : vector<16xf32>
        %mul3A_145 = arith.mulf %get3A_143, %exp3A_144 : vector<16xf32>
        %add3A_146 = arith.addf %get3A_131, %mul3A_145 : vector<16xf32>
        %add3A_147 = arith.constant 16 : i32
        %add3A_148 = arith.addi %add3A_103, %add3A_147 : i32
        %swap3A_149 = arith.index_cast %add3A_148 : i32 to index
        %swap3A_150 = tpu.vector_load %arg9[%swap3A_149] {strides = array<i32>} : memref<8192xf32, #tpu.memory_space<vmem>>, vector<16xf32>,
        %swap3A_151 = vector.shape_cast %swap3A_150 : vector<16xf32> to vector<16xf32>
        %swap3A_152 = vector.shape_cast %add3A_146 : vector<16xf32> to vector<16xf32>
        tpu.vector_store %arg9[%swap3A_149], %swap3A_152 {strides = array<i32>} : memref<8192xf32, #tpu.memory_space<vmem>>, vector<16xf32>,
        %add3A_153 = arith.constant 32 : i32
        %add3A_154 = arith.addi %mul3A_98, %add3A_153 : i32
        %get3A_155 = arith.index_cast %add3A_154 : i32 to index
        %get3A_156 = tpu.vector_load %arg7[%get3A_155] {strides = array<i32>} : memref<32768xf32, #tpu.memory_space<vmem>>, vector<16xf32>,
        %get3A_157 = vector.shape_cast %get3A_156 : vector<16xf32> to vector<16xf32>
        %add3A_158 = arith.constant 256 : i32
        %add3A_159 = arith.addi %mul3A_98, %add3A_158 : i32
        %add3A_160 = arith.constant 32 : i32
        %add3A_161 = arith.addi %add3A_159, %add3A_160 : i32
        %get3A_162 = arith.index_cast %add3A_161 : i32 to index
        %get3A_163 = tpu.vector_load %arg7[%get3A_162] {strides = array<i32>} : memref<32768xf32, #tpu.memory_space<vmem>>, vector<16xf32>,
        %get3A_164 = vector.shape_cast %get3A_163 : vector<16xf32> to vector<16xf32>
        %add3A_165 = arith.constant 32 : i32
        %add3A_166 = arith.addi %add3A_103, %add3A_165 : i32
        %get3A_167 = arith.index_cast %add3A_166 : i32 to index
        %get3A_168 = tpu.vector_load %arg8[%get3A_167] {strides = array<i32>} : memref<8192xf32, #tpu.memory_space<vmem>>, vector<16xf32>,
        %get3A_169 = vector.shape_cast %get3A_168 : vector<16xf32> to vector<16xf32>
        %exp3A_170 = math.exp %get3A_164 : vector<16xf32>
        %mul3A_171 = arith.mulf %get3A_169, %exp3A_170 : vector<16xf32>
        %add3A_172 = arith.addf %get3A_157, %mul3A_171 : vector<16xf32>
        %add3A_173 = arith.constant 32 : i32
        %add3A_174 = arith.addi %add3A_103, %add3A_173 : i32
        %swap3A_175 = arith.index_cast %add3A_174 : i32 to index
        %swap3A_176 = tpu.vector_load %arg9[%swap3A_175] {strides = array<i32>} : memref<8192xf32, #tpu.memory_space<vmem>>, vector<16xf32>,
        %swap3A_177 = vector.shape_cast %swap3A_176 : vector<16xf32> to vector<16xf32>
        %swap3A_178 = vector.shape_cast %add3A_172 : vector<16xf32> to vector<16xf32>
        tpu.vector_store %arg9[%swap3A_175], %swap3A_178 {strides = array<i32>} : memref<8192xf32, #tpu.memory_space<vmem>>, vector<16xf32>,
        %add3A_179 = arith.constant 48 : i32
        %add3A_180 = arith.addi %mul3A_98, %add3A_179 : i32
        %get3A_181 = arith.index_cast %add3A_180 : i32 to index
        %get3A_182 = tpu.vector_load %arg7[%get3A_181] {strides = array<i32>} : memref<32768xf32, #tpu.memory_space<vmem>>, vector<16xf32>,
        %get3A_183 = vector.shape_cast %get3A_182 : vector<16xf32> to vector<16xf32>
        %add3A_184 = arith.constant 256 : i32
        %add3A_185 = arith.addi %mul3A_98, %add3A_184 : i32
        %add3A_186 = arith.constant 48 : i32
        %add3A_187 = arith.addi %add3A_185, %add3A_186 : i32
        %get3A_188 = arith.index_cast %add3A_187 : i32 to index
        %get3A_189 = tpu.vector_load %arg7[%get3A_188] {strides = array<i32>} : memref<32768xf32, #tpu.memory_space<vmem>>, vector<16xf32>,
        %get3A_190 = vector.shape_cast %get3A_189 : vector<16xf32> to vector<16xf32>
        %add3A_191 = arith.constant 48 : i32
        %add3A_192 = arith.addi %add3A_103, %add3A_191 : i32
        %get3A_193 = arith.index_cast %add3A_192 : i32 to index
        %get3A_194 = tpu.vector_load %arg8[%get3A_193] {strides = array<i32>} : memref<8192xf32, #tpu.memory_space<vmem>>, vector<16xf32>,
        %get3A_195 = vector.shape_cast %get3A_194 : vector<16xf32> to vector<16xf32>
        %exp3A_196 = math.exp %get3A_190 : vector<16xf32>
        %mul3A_197 = arith.mulf %get3A_195, %exp3A_196 : vector<16xf32>
        %add3A_198 = arith.addf %get3A_183, %mul3A_197 : vector<16xf32>
        %add3A_199 = arith.constant 48 : i32
        %add3A_200 = arith.addi %add3A_103, %add3A_199 : i32
        %swap3A_201 = arith.index_cast %add3A_200 : i32 to index
        %swap3A_202 = tpu.vector_load %arg9[%swap3A_201] {strides = array<i32>} : memref<8192xf32, #tpu.memory_space<vmem>>, vector<16xf32>,
        %swap3A_203 = vector.shape_cast %swap3A_202 : vector<16xf32> to vector<16xf32>
        %swap3A_204 = vector.shape_cast %add3A_198 : vector<16xf32> to vector<16xf32>
        tpu.vector_store %arg9[%swap3A_201], %swap3A_204 {strides = array<i32>} : memref<8192xf32, #tpu.memory_space<vmem>>, vector<16xf32>,
        %add3A_205 = arith.constant 64 : i32
        %add3A_206 = arith.addi %mul3A_98, %add3A_205 : i32
        %get3A_207 = arith.index_cast %add3A_206 : i32 to index
        %get3A_208 = tpu.vector_load %arg7[%get3A_207] {strides = array<i32>} : memref<32768xf32, #tpu.memory_space<vmem>>, vector<16xf32>,
        %get3A_209 = vector.shape_cast %get3A_208 : vector<16xf32> to vector<16xf32>
        %add3A_210 = arith.constant 256 : i32
        %add3A_211 = arith.addi %mul3A_98, %add3A_210 : i32
        %add3A_212 = arith.constant 64 : i32
        %add3A_213 = arith.addi %add3A_211, %add3A_212 : i32
        %get3A_214 = arith.index_cast %add3A_213 : i32 to index
        %get3A_215 = tpu.vector_load %arg7[%get3A_214] {strides = array<i32>} : memref<32768xf32, #tpu.memory_space<vmem>>, vector<16xf32>,
        %get3A_216 = vector.shape_cast %get3A_215 : vector<16xf32> to vector<16xf32>
        %add3A_217 = arith.constant 64 : i32
        %add3A_218 = arith.addi %add3A_103, %add3A_217 : i32
        %get3A_219 = arith.index_cast %add3A_218 : i32 to index
        %get3A_220 = tpu.vector_load %arg8[%get3A_219] {strides = array<i32>} : memref<8192xf32, #tpu.memory_space<vmem>>, vector<16xf32>,
        %get3A_221 = vector.shape_cast %get3A_220 : vector<16xf32> to vector<16xf32>
        %exp3A_222 = math.exp %get3A_216 : vector<16xf32>
        %mul3A_223 = arith.mulf %get3A_221, %exp3A_222 : vector<16xf32>
        %add3A_224 = arith.addf %get3A_209, %mul3A_223 : vector<16xf32>
        %add3A_225 = arith.constant 64 : i32
        %add3A_226 = arith.addi %add3A_103, %add3A_225 : i32
        %swap3A_227 = arith.index_cast %add3A_226 : i32 to index
        %swap3A_228 = tpu.vector_load %arg9[%swap3A_227] {strides = array<i32>} : memref<8192xf32, #tpu.memory_space<vmem>>, vector<16xf32>,
        %swap3A_229 = vector.shape_cast %swap3A_228 : vector<16xf32> to vector<16xf32>
        %swap3A_230 = vector.shape_cast %add3A_224 : vector<16xf32> to vector<16xf32>
        tpu.vector_store %arg9[%swap3A_227], %swap3A_230 {strides = array<i32>} : memref<8192xf32, #tpu.memory_space<vmem>>, vector<16xf32>,
        %add3A_231 = arith.constant 80 : i32
        %add3A_232 = arith.addi %mul3A_98, %add3A_231 : i32
        %get3A_233 = arith.index_cast %add3A_232 : i32 to index
        %get3A_234 = tpu.vector_load %arg7[%get3A_233] {strides = array<i32>} : memref<32768xf32, #tpu.memory_space<vmem>>, vector<16xf32>,
        %get3A_235 = vector.shape_cast %get3A_234 : vector<16xf32> to vector<16xf32>
        %add3A_236 = arith.constant 256 : i32
        %add3A_237 = arith.addi %mul3A_98, %add3A_236 : i32
        %add3A_238 = arith.constant 80 : i32
        %add3A_239 = arith.addi %add3A_237, %add3A_238 : i32
        %get3A_240 = arith.index_cast %add3A_239 : i32 to index
        %get3A_241 = tpu.vector_load %arg7[%get3A_240] {strides = array<i32>} : memref<32768xf32, #tpu.memory_space<vmem>>, vector<16xf32>,
        %get3A_242 = vector.shape_cast %get3A_241 : vector<16xf32> to vector<16xf32>
        %add3A_243 = arith.constant 80 : i32
        %add3A_244 = arith.addi %add3A_103, %add3A_243 : i32
        %get3A_245 = arith.index_cast %add3A_244 : i32 to index
        %get3A_246 = tpu.vector_load %arg8[%get3A_245] {strides = array<i32>} : memref<8192xf32, #tpu.memory_space<vmem>>, vector<16xf32>,
        %get3A_247 = vector.shape_cast %get3A_246 : vector<16xf32> to vector<16xf32>
        %exp3A_248 = math.exp %get3A_242 : vector<16xf32>
        %mul3A_249 = arith.mulf %get3A_247, %exp3A_248 : vector<16xf32>
        %add3A_250 = arith.addf %get3A_235, %mul3A_249 : vector<16xf32>
        %add3A_251 = arith.constant 80 : i32
        %add3A_252 = arith.addi %add3A_103, %add3A_251 : i32
        %swap3A_253 = arith.index_cast %add3A_252 : i32 to index
        %swap3A_254 = tpu.vector_load %arg9[%swap3A_253] {strides = array<i32>} : memref<8192xf32, #tpu.memory_space<vmem>>, vector<16xf32>,
        %swap3A_255 = vector.shape_cast %swap3A_254 : vector<16xf32> to vector<16xf32>
        %swap3A_256 = vector.shape_cast %add3A_250 : vector<16xf32> to vector<16xf32>
        tpu.vector_store %arg9[%swap3A_253], %swap3A_256 {strides = array<i32>} : memref<8192xf32, #tpu.memory_space<vmem>>, vector<16xf32>,
        %add3A_257 = arith.constant 96 : i32
        %add3A_258 = arith.addi %mul3A_98, %add3A_257 : i32
        %get3A_259 = arith.index_cast %add3A_258 : i32 to index
        %get3A_260 = tpu.vector_load %arg7[%get3A_259] {strides = array<i32>} : memref<32768xf32, #tpu.memory_space<vmem>>, vector<16xf32>,
        %get3A_261 = vector.shape_cast %get3A_260 : vector<16xf32> to vector<16xf32>
        %add3A_262 = arith.constant 256 : i32
        %add3A_263 = arith.addi %mul3A_98, %add3A_262 : i32
        %add3A_264 = arith.constant 96 : i32
        %add3A_265 = arith.addi %add3A_263, %add3A_264 : i32
        %get3A_266 = arith.index_cast %add3A_265 : i32 to index
        %get3A_267 = tpu.vector_load %arg7[%get3A_266] {strides = array<i32>} : memref<32768xf32, #tpu.memory_space<vmem>>, vector<16xf32>,
        %get3A_268 = vector.shape_cast %get3A_267 : vector<16xf32> to vector<16xf32>
        %add3A_269 = arith.constant 96 : i32
        %add3A_270 = arith.addi %add3A_103, %add3A_269 : i32
        %get3A_271 = arith.index_cast %add3A_270 : i32 to index
        %get3A_272 = tpu.vector_load %arg8[%get3A_271] {strides = array<i32>} : memref<8192xf32, #tpu.memory_space<vmem>>, vector<16xf32>,
        %get3A_273 = vector.shape_cast %get3A_272 : vector<16xf32> to vector<16xf32>
        %exp3A_274 = math.exp %get3A_268 : vector<16xf32>
        %mul3A_275 = arith.mulf %get3A_273, %exp3A_274 : vector<16xf32>
        %add3A_276 = arith.addf %get3A_261, %mul3A_275 : vector<16xf32>
        %add3A_277 = arith.constant 96 : i32
        %add3A_278 = arith.addi %add3A_103, %add3A_277 : i32
        %swap3A_279 = arith.index_cast %add3A_278 : i32 to index
        %swap3A_280 = tpu.vector_load %arg9[%swap3A_279] {strides = array<i32>} : memref<8192xf32, #tpu.memory_space<vmem>>, vector<16xf32>,
        %swap3A_281 = vector.shape_cast %swap3A_280 : vector<16xf32> to vector<16xf32>
        %swap3A_282 = vector.shape_cast %add3A_276 : vector<16xf32> to vector<16xf32>
        tpu.vector_store %arg9[%swap3A_279], %swap3A_282 {strides = array<i32>} : memref<8192xf32, #tpu.memory_space<vmem>>, vector<16xf32>,
        %add3A_283 = arith.constant 112 : i32
        %add3A_284 = arith.addi %mul3A_98, %add3A_283 : i32
        %get3A_285 = arith.index_cast %add3A_284 : i32 to index
        %get3A_286 = tpu.vector_load %arg7[%get3A_285] {strides = array<i32>} : memref<32768xf32, #tpu.memory_space<vmem>>, vector<16xf32>,
        %get3A_287 = vector.shape_cast %get3A_286 : vector<16xf32> to vector<16xf32>
        %add3A_288 = arith.constant 256 : i32
        %add3A_289 = arith.addi %mul3A_98, %add3A_288 : i32
        %add3A_290 = arith.constant 112 : i32
        %add3A_291 = arith.addi %add3A_289, %add3A_290 : i32
        %get3A_292 = arith.index_cast %add3A_291 : i32 to index
        %get3A_293 = tpu.vector_load %arg7[%get3A_292] {strides = array<i32>} : memref<32768xf32, #tpu.memory_space<vmem>>, vector<16xf32>,
        %get3A_294 = vector.shape_cast %get3A_293 : vector<16xf32> to vector<16xf32>
        %add3A_295 = arith.constant 112 : i32
        %add3A_296 = arith.addi %add3A_103, %add3A_295 : i32
        %get3A_297 = arith.index_cast %add3A_296 : i32 to index
        %get3A_298 = tpu.vector_load %arg8[%get3A_297] {strides = array<i32>} : memref<8192xf32, #tpu.memory_space<vmem>>, vector<16xf32>,
        %get3A_299 = vector.shape_cast %get3A_298 : vector<16xf32> to vector<16xf32>
        %exp3A_300 = math.exp %get3A_294 : vector<16xf32>
        %mul3A_301 = arith.mulf %get3A_299, %exp3A_300 : vector<16xf32>
        %add3A_302 = arith.addf %get3A_287, %mul3A_301 : vector<16xf32>
        %add3A_303 = arith.constant 112 : i32
        %add3A_304 = arith.addi %add3A_103, %add3A_303 : i32
        %swap3A_305 = arith.index_cast %add3A_304 : i32 to index
        %swap3A_306 = tpu.vector_load %arg9[%swap3A_305] {strides = array<i32>} : memref<8192xf32, #tpu.memory_space<vmem>>, vector<16xf32>,
        %swap3A_307 = vector.shape_cast %swap3A_306 : vector<16xf32> to vector<16xf32>
        %swap3A_308 = vector.shape_cast %add3A_302 : vector<16xf32> to vector<16xf32>
        tpu.vector_store %arg9[%swap3A_305], %swap3A_308 {strides = array<i32>} : memref<8192xf32, #tpu.memory_space<vmem>>, vector<16xf32>,
        %add3A_309 = arith.constant 128 : i32
        %add3A_310 = arith.addi %mul3A_98, %add3A_309 : i32
        %get3A_311 = arith.index_cast %add3A_310 : i32 to index
        %get3A_312 = tpu.vector_load %arg7[%get3A_311] {strides = array<i32>} : memref<32768xf32, #tpu.memory_space<vmem>>, vector<16xf32>,
        %get3A_313 = vector.shape_cast %get3A_312 : vector<16xf32> to vector<16xf32>
        %add3A_314 = arith.constant 256 : i32
        %add3A_315 = arith.addi %mul3A_98, %add3A_314 : i32
        %add3A_316 = arith.constant 128 : i32
        %add3A_317 = arith.addi %add3A_315, %add3A_316 : i32
        %get3A_318 = arith.index_cast %add3A_317 : i32 to index
        %get3A_319 = tpu.vector_load %arg7[%get3A_318] {strides = array<i32>} : memref<32768xf32, #tpu.memory_space<vmem>>, vector<16xf32>,
        %get3A_320 = vector.shape_cast %get3A_319 : vector<16xf32> to vector<16xf32>
        %add3A_321 = arith.constant 128 : i32
        %add3A_322 = arith.addi %add3A_103, %add3A_321 : i32
        %get3A_323 = arith.index_cast %add3A_322 : i32 to index
        %get3A_324 = tpu.vector_load %arg8[%get3A_323] {strides = array<i32>} : memref<8192xf32, #tpu.memory_space<vmem>>, vector<16xf32>,
        %get3A_325 = vector.shape_cast %get3A_324 : vector<16xf32> to vector<16xf32>
        %exp3A_326 = math.exp %get3A_320 : vector<16xf32>
        %mul3A_327 = arith.mulf %get3A_325, %exp3A_326 : vector<16xf32>
        %add3A_328 = arith.addf %get3A_313, %mul3A_327 : vector<16xf32>
        %add3A_329 = arith.constant 128 : i32
        %add3A_330 = arith.addi %add3A_103, %add3A_329 : i32
        %swap3A_331 = arith.index_cast %add3A_330 : i32 to index
        %swap3A_332 = tpu.vector_load %arg9[%swap3A_331] {strides = array<i32>} : memref<8192xf32, #tpu.memory_space<vmem>>, vector<16xf32>,
        %swap3A_333 = vector.shape_cast %swap3A_332 : vector<16xf32> to vector<16xf32>
        %swap3A_334 = vector.shape_cast %add3A_328 : vector<16xf32> to vector<16xf32>
        tpu.vector_store %arg9[%swap3A_331], %swap3A_334 {strides = array<i32>} : memref<8192xf32, #tpu.memory_space<vmem>>, vector<16xf32>,
        %add3A_335 = arith.constant 144 : i32
        %add3A_336 = arith.addi %mul3A_98, %add3A_335 : i32
        %get3A_337 = arith.index_cast %add3A_336 : i32 to index
        %get3A_338 = tpu.vector_load %arg7[%get3A_337] {strides = array<i32>} : memref<32768xf32, #tpu.memory_space<vmem>>, vector<16xf32>,
        %get3A_339 = vector.shape_cast %get3A_338 : vector<16xf32> to vector<16xf32>
        %add3A_340 = arith.constant 256 : i32
        %add3A_341 = arith.addi %mul3A_98, %add3A_340 : i32
        %add3A_342 = arith.constant 144 : i32
        %add3A_343 = arith.addi %add3A_341, %add3A_342 : i32
        %get3A_344 = arith.index_cast %add3A_343 : i32 to index
        %get3A_345 = tpu.vector_load %arg7[%get3A_344] {strides = array<i32>} : memref<32768xf32, #tpu.memory_space<vmem>>, vector<16xf32>,
        %get3A_346 = vector.shape_cast %get3A_345 : vector<16xf32> to vector<16xf32>
        %add3A_347 = arith.constant 144 : i32
        %add3A_348 = arith.addi %add3A_103, %add3A_347 : i32
        %get3A_349 = arith.index_cast %add3A_348 : i32 to index
        %get3A_350 = tpu.vector_load %arg8[%get3A_349] {strides = array<i32>} : memref<8192xf32, #tpu.memory_space<vmem>>, vector<16xf32>,
        %get3A_351 = vector.shape_cast %get3A_350 : vector<16xf32> to vector<16xf32>
        %exp3A_352 = math.exp %get3A_346 : vector<16xf32>
        %mul3A_353 = arith.mulf %get3A_351, %exp3A_352 : vector<16xf32>
        %add3A_354 = arith.addf %get3A_339, %mul3A_353 : vector<16xf32>
        %add3A_355 = arith.constant 144 : i32
        %add3A_356 = arith.addi %add3A_103, %add3A_355 : i32
        %swap3A_357 = arith.index_cast %add3A_356 : i32 to index
        %swap3A_358 = tpu.vector_load %arg9[%swap3A_357] {strides = array<i32>} : memref<8192xf32, #tpu.memory_space<vmem>>, vector<16xf32>,
        %swap3A_359 = vector.shape_cast %swap3A_358 : vector<16xf32> to vector<16xf32>
        %swap3A_360 = vector.shape_cast %add3A_354 : vector<16xf32> to vector<16xf32>
        tpu.vector_store %arg9[%swap3A_357], %swap3A_360 {strides = array<i32>} : memref<8192xf32, #tpu.memory_space<vmem>>, vector<16xf32>,
        %add3A_361 = arith.constant 160 : i32
        %add3A_362 = arith.addi %mul3A_98, %add3A_361 : i32
        %get3A_363 = arith.index_cast %add3A_362 : i32 to index
        %get3A_364 = tpu.vector_load %arg7[%get3A_363] {strides = array<i32>} : memref<32768xf32, #tpu.memory_space<vmem>>, vector<16xf32>,
        %get3A_365 = vector.shape_cast %get3A_364 : vector<16xf32> to vector<16xf32>
        %add3A_366 = arith.constant 256 : i32
        %add3A_367 = arith.addi %mul3A_98, %add3A_366 : i32
        %add3A_368 = arith.constant 160 : i32
        %add3A_369 = arith.addi %add3A_367, %add3A_368 : i32
        %get3A_370 = arith.index_cast %add3A_369 : i32 to index
        %get3A_371 = tpu.vector_load %arg7[%get3A_370] {strides = array<i32>} : memref<32768xf32, #tpu.memory_space<vmem>>, vector<16xf32>,
        %get3A_372 = vector.shape_cast %get3A_371 : vector<16xf32> to vector<16xf32>
        %add3A_373 = arith.constant 160 : i32
        %add3A_374 = arith.addi %add3A_103, %add3A_373 : i32
        %get3A_375 = arith.index_cast %add3A_374 : i32 to index
        %get3A_376 = tpu.vector_load %arg8[%get3A_375] {strides = array<i32>} : memref<8192xf32, #tpu.memory_space<vmem>>, vector<16xf32>,
        %get3A_377 = vector.shape_cast %get3A_376 : vector<16xf32> to vector<16xf32>
        %exp3A_378 = math.exp %get3A_372 : vector<16xf32>
        %mul3A_379 = arith.mulf %get3A_377, %exp3A_378 : vector<16xf32>
        %add3A_380 = arith.addf %get3A_365, %mul3A_379 : vector<16xf32>
        %add3A_381 = arith.constant 160 : i32
        %add3A_382 = arith.addi %add3A_103, %add3A_381 : i32
        %swap3A_383 = arith.index_cast %add3A_382 : i32 to index
        %swap3A_384 = tpu.vector_load %arg9[%swap3A_383] {strides = array<i32>} : memref<8192xf32, #tpu.memory_space<vmem>>, vector<16xf32>,
        %swap3A_385 = vector.shape_cast %swap3A_384 : vector<16xf32> to vector<16xf32>
        %swap3A_386 = vector.shape_cast %add3A_380 : vector<16xf32> to vector<16xf32>
        tpu.vector_store %arg9[%swap3A_383], %swap3A_386 {strides = array<i32>} : memref<8192xf32, #tpu.memory_space<vmem>>, vector<16xf32>,
        %add3A_387 = arith.constant 176 : i32
        %add3A_388 = arith.addi %mul3A_98, %add3A_387 : i32
        %get3A_389 = arith.index_cast %add3A_388 : i32 to index
        %get3A_390 = tpu.vector_load %arg7[%get3A_389] {strides = array<i32>} : memref<32768xf32, #tpu.memory_space<vmem>>, vector<16xf32>,
        %get3A_391 = vector.shape_cast %get3A_390 : vector<16xf32> to vector<16xf32>
        %add3A_392 = arith.constant 256 : i32
        %add3A_393 = arith.addi %mul3A_98, %add3A_392 : i32
        %add3A_394 = arith.constant 176 : i32
        %add3A_395 = arith.addi %add3A_393, %add3A_394 : i32
        %get3A_396 = arith.index_cast %add3A_395 : i32 to index
        %get3A_397 = tpu.vector_load %arg7[%get3A_396] {strides = array<i32>} : memref<32768xf32, #tpu.memory_space<vmem>>, vector<16xf32>,
        %get3A_398 = vector.shape_cast %get3A_397 : vector<16xf32> to vector<16xf32>
        %add3A_399 = arith.constant 176 : i32
        %add3A_400 = arith.addi %add3A_103, %add3A_399 : i32
        %get3A_401 = arith.index_cast %add3A_400 : i32 to index
        %get3A_402 = tpu.vector_load %arg8[%get3A_401] {strides = array<i32>} : memref<8192xf32, #tpu.memory_space<vmem>>, vector<16xf32>,
        %get3A_403 = vector.shape_cast %get3A_402 : vector<16xf32> to vector<16xf32>
        %exp3A_404 = math.exp %get3A_398 : vector<16xf32>
        %mul3A_405 = arith.mulf %get3A_403, %exp3A_404 : vector<16xf32>
        %add3A_406 = arith.addf %get3A_391, %mul3A_405 : vector<16xf32>
        %add3A_407 = arith.constant 176 : i32
        %add3A_408 = arith.addi %add3A_103, %add3A_407 : i32
        %swap3A_409 = arith.index_cast %add3A_408 : i32 to index
        %swap3A_410 = tpu.vector_load %arg9[%swap3A_409] {strides = array<i32>} : memref<8192xf32, #tpu.memory_space<vmem>>, vector<16xf32>,
        %swap3A_411 = vector.shape_cast %swap3A_410 : vector<16xf32> to vector<16xf32>
        %swap3A_412 = vector.shape_cast %add3A_406 : vector<16xf32> to vector<16xf32>
        tpu.vector_store %arg9[%swap3A_409], %swap3A_412 {strides = array<i32>} : memref<8192xf32, #tpu.memory_space<vmem>>, vector<16xf32>,
        %add3A_413 = arith.constant 192 : i32
        %add3A_414 = arith.addi %mul3A_98, %add3A_413 : i32
        %get3A_415 = arith.index_cast %add3A_414 : i32 to index
        %get3A_416 = tpu.vector_load %arg7[%get3A_415] {strides = array<i32>} : memref<32768xf32, #tpu.memory_space<vmem>>, vector<16xf32>,
        %get3A_417 = vector.shape_cast %get3A_416 : vector<16xf32> to vector<16xf32>
        %add3A_418 = arith.constant 256 : i32
        %add3A_419 = arith.addi %mul3A_98, %add3A_418 : i32
        %add3A_420 = arith.constant 192 : i32
        %add3A_421 = arith.addi %add3A_419, %add3A_420 : i32
        %get3A_422 = arith.index_cast %add3A_421 : i32 to index
        %get3A_423 = tpu.vector_load %arg7[%get3A_422] {strides = array<i32>} : memref<32768xf32, #tpu.memory_space<vmem>>, vector<16xf32>,
        %get3A_424 = vector.shape_cast %get3A_423 : vector<16xf32> to vector<16xf32>
        %add3A_425 = arith.constant 192 : i32
        %add3A_426 = arith.addi %add3A_103, %add3A_425 : i32
        %get3A_427 = arith.index_cast %add3A_426 : i32 to index
        %get3A_428 = tpu.vector_load %arg8[%get3A_427] {strides = array<i32>} : memref<8192xf32, #tpu.memory_space<vmem>>, vector<16xf32>,
        %get3A_429 = vector.shape_cast %get3A_428 : vector<16xf32> to vector<16xf32>
        %exp3A_430 = math.exp %get3A_424 : vector<16xf32>
        %mul3A_431 = arith.mulf %get3A_429, %exp3A_430 : vector<16xf32>
        %add3A_432 = arith.addf %get3A_417, %mul3A_431 : vector<16xf32>
        %add3A_433 = arith.constant 192 : i32
        %add3A_434 = arith.addi %add3A_103, %add3A_433 : i32
        %swap3A_435 = arith.index_cast %add3A_434 : i32 to index
        %swap3A_436 = tpu.vector_load %arg9[%swap3A_435] {strides = array<i32>} : memref<8192xf32, #tpu.memory_space<vmem>>, vector<16xf32>,
        %swap3A_437 = vector.shape_cast %swap3A_436 : vector<16xf32> to vector<16xf32>
        %swap3A_438 = vector.shape_cast %add3A_432 : vector<16xf32> to vector<16xf32>
        tpu.vector_store %arg9[%swap3A_435], %swap3A_438 {strides = array<i32>} : memref<8192xf32, #tpu.memory_space<vmem>>, vector<16xf32>,
        %add3A_439 = arith.constant 208 : i32
        %add3A_440 = arith.addi %mul3A_98, %add3A_439 : i32
        %get3A_441 = arith.index_cast %add3A_440 : i32 to index
        %get3A_442 = tpu.vector_load %arg7[%get3A_441] {strides = array<i32>} : memref<32768xf32, #tpu.memory_space<vmem>>, vector<16xf32>,
        %get3A_443 = vector.shape_cast %get3A_442 : vector<16xf32> to vector<16xf32>
        %add3A_444 = arith.constant 256 : i32
        %add3A_445 = arith.addi %mul3A_98, %add3A_444 : i32
        %add3A_446 = arith.constant 208 : i32
        %add3A_447 = arith.addi %add3A_445, %add3A_446 : i32
        %get3A_448 = arith.index_cast %add3A_447 : i32 to index
        %get3A_449 = tpu.vector_load %arg7[%get3A_448] {strides = array<i32>} : memref<32768xf32, #tpu.memory_space<vmem>>, vector<16xf32>,
        %get3A_450 = vector.shape_cast %get3A_449 : vector<16xf32> to vector<16xf32>
        %add3A_451 = arith.constant 208 : i32
        %add3A_452 = arith.addi %add3A_103, %add3A_451 : i32
        %get3A_453 = arith.index_cast %add3A_452 : i32 to index
        %get3A_454 = tpu.vector_load %arg8[%get3A_453] {strides = array<i32>} : memref<8192xf32, #tpu.memory_space<vmem>>, vector<16xf32>,
        %get3A_455 = vector.shape_cast %get3A_454 : vector<16xf32> to vector<16xf32>
        %exp3A_456 = math.exp %get3A_450 : vector<16xf32>
        %mul3A_457 = arith.mulf %get3A_455, %exp3A_456 : vector<16xf32>
        %add3A_458 = arith.addf %get3A_443, %mul3A_457 : vector<16xf32>
        %add3A_459 = arith.constant 208 : i32
        %add3A_460 = arith.addi %add3A_103, %add3A_459 : i32
        %swap3A_461 = arith.index_cast %add3A_460 : i32 to index
        %swap3A_462 = tpu.vector_load %arg9[%swap3A_461] {strides = array<i32>} : memref<8192xf32, #tpu.memory_space<vmem>>, vector<16xf32>,
        %swap3A_463 = vector.shape_cast %swap3A_462 : vector<16xf32> to vector<16xf32>
        %swap3A_464 = vector.shape_cast %add3A_458 : vector<16xf32> to vector<16xf32>
        tpu.vector_store %arg9[%swap3A_461], %swap3A_464 {strides = array<i32>} : memref<8192xf32, #tpu.memory_space<vmem>>, vector<16xf32>,
        %add3A_465 = arith.constant 224 : i32
        %add3A_466 = arith.addi %mul3A_98, %add3A_465 : i32
        %get3A_467 = arith.index_cast %add3A_466 : i32 to index
        %get3A_468 = tpu.vector_load %arg7[%get3A_467] {strides = array<i32>} : memref<32768xf32, #tpu.memory_space<vmem>>, vector<16xf32>,
        %get3A_469 = vector.shape_cast %get3A_468 : vector<16xf32> to vector<16xf32>
        %add3A_470 = arith.constant 256 : i32
        %add3A_471 = arith.addi %mul3A_98, %add3A_470 : i32
        %add3A_472 = arith.constant 224 : i32
        %add3A_473 = arith.addi %add3A_471, %add3A_472 : i32
        %get3A_474 = arith.index_cast %add3A_473 : i32 to index
        %get3A_475 = tpu.vector_load %arg7[%get3A_474] {strides = array<i32>} : memref<32768xf32, #tpu.memory_space<vmem>>, vector<16xf32>,
        %get3A_476 = vector.shape_cast %get3A_475 : vector<16xf32> to vector<16xf32>
        %add3A_477 = arith.constant 224 : i32
        %add3A_478 = arith.addi %add3A_103, %add3A_477 : i32
        %get3A_479 = arith.index_cast %add3A_478 : i32 to index
        %get3A_480 = tpu.vector_load %arg8[%get3A_479] {strides = array<i32>} : memref<8192xf32, #tpu.memory_space<vmem>>, vector<16xf32>,
        %get3A_481 = vector.shape_cast %get3A_480 : vector<16xf32> to vector<16xf32>
        %exp3A_482 = math.exp %get3A_476 : vector<16xf32>
        %mul3A_483 = arith.mulf %get3A_481, %exp3A_482 : vector<16xf32>
        %add3A_484 = arith.addf %get3A_469, %mul3A_483 : vector<16xf32>
        %add3A_485 = arith.constant 224 : i32
        %add3A_486 = arith.addi %add3A_103, %add3A_485 : i32
        %swap3A_487 = arith.index_cast %add3A_486 : i32 to index
        %swap3A_488 = tpu.vector_load %arg9[%swap3A_487] {strides = array<i32>} : memref<8192xf32, #tpu.memory_space<vmem>>, vector<16xf32>,
        %swap3A_489 = vector.shape_cast %swap3A_488 : vector<16xf32> to vector<16xf32>
        %swap3A_490 = vector.shape_cast %add3A_484 : vector<16xf32> to vector<16xf32>
        tpu.vector_store %arg9[%swap3A_487], %swap3A_490 {strides = array<i32>} : memref<8192xf32, #tpu.memory_space<vmem>>, vector<16xf32>,
        %add3A_491 = arith.constant 240 : i32
        %add3A_492 = arith.addi %mul3A_98, %add3A_491 : i32
        %get3A_493 = arith.index_cast %add3A_492 : i32 to index
        %get3A_494 = tpu.vector_load %arg7[%get3A_493] {strides = array<i32>} : memref<32768xf32, #tpu.memory_space<vmem>>, vector<16xf32>,
        %get3A_495 = vector.shape_cast %get3A_494 : vector<16xf32> to vector<16xf32>
        %add3A_496 = arith.constant 256 : i32
        %add3A_497 = arith.addi %mul3A_98, %add3A_496 : i32
        %add3A_498 = arith.constant 240 : i32
        %add3A_499 = arith.addi %add3A_497, %add3A_498 : i32
        %get3A_500 = arith.index_cast %add3A_499 : i32 to index
        %get3A_501 = tpu.vector_load %arg7[%get3A_500] {strides = array<i32>} : memref<32768xf32, #tpu.memory_space<vmem>>, vector<16xf32>,
        %get3A_502 = vector.shape_cast %get3A_501 : vector<16xf32> to vector<16xf32>
        %add3A_503 = arith.constant 240 : i32
        %add3A_504 = arith.addi %add3A_103, %add3A_503 : i32
        %get3A_505 = arith.index_cast %add3A_504 : i32 to index
        %get3A_506 = tpu.vector_load %arg8[%get3A_505] {strides = array<i32>} : memref<8192xf32, #tpu.memory_space<vmem>>, vector<16xf32>,
        %get3A_507 = vector.shape_cast %get3A_506 : vector<16xf32> to vector<16xf32>
        %exp3A_508 = math.exp %get3A_502 : vector<16xf32>
        %mul3A_509 = arith.mulf %get3A_507, %exp3A_508 : vector<16xf32>
        %add3A_510 = arith.addf %get3A_495, %mul3A_509 : vector<16xf32>
        %add3A_511 = arith.constant 240 : i32
        %add3A_512 = arith.addi %add3A_103, %add3A_511 : i32
        %swap3A_513 = arith.index_cast %add3A_512 : i32 to index
        %swap3A_514 = tpu.vector_load %arg9[%swap3A_513] {strides = array<i32>} : memref<8192xf32, #tpu.memory_space<vmem>>, vector<16xf32>,
        %swap3A_515 = vector.shape_cast %swap3A_514 : vector<16xf32> to vector<16xf32>
        %swap3A_516 = vector.shape_cast %add3A_510 : vector<16xf32> to vector<16xf32>
        tpu.vector_store %arg9[%swap3A_513], %swap3A_516 {strides = array<i32>} : memref<8192xf32, #tpu.memory_space<vmem>>, vector<16xf32>,
      }
      %scan3A_82 = arith.constant 16 : i32
      %eq3A_83 = arith.constant 0 : i32
      %eq3A_84 = arith.cmpi eq, %rem3A_67, %eq3A_83 : i32
      %convert_element_type3A_85 = arith.extui %eq3A_84 : i1 to i32
      %cond3A_86 = arith.constant 0 : i32
      %cond3A_87 = arith.cmpi ne, %convert_element_type3A_85, %cond3A_86 : i32
      scf.if %cond3A_87 {
        %rem3A_93 = arith.constant 2 : i32
        %rem3A_94 = arith.remsi %scan3A_65, %rem3A_93 : i32
        %mul3A_95 = arith.constant 4096 : i32
        %mul3A_96 = arith.muli %rem3A_94, %mul3A_95 : i32
        %mul3A_97 = arith.constant 16 : i32
        %mul3A_98 = arith.muli %scan3A_65, %mul3A_97 : i32
        %add3A_99 = arith.addi %mul3A_2, %mul3A_98 : i32
        %mul3A_100 = arith.constant 256 : i32
        %mul3A_101 = arith.muli %add3A_99, %mul3A_100 : i32
        %dma_start3A_102 = tpu.memref_slice %arg9[%mul3A_96] : memref<8192xf32, #tpu.memory_space<vmem>> -> memref<4096xf32, #tpu.memory_space<vmem>>
        %dma_start3A_103 = tpu.memref_slice %arg5[%mul3A_101] : memref<2097152xf32, #tpu.memory_space<hbm>> -> memref<4096xf32, #tpu.memory_space<hbm>>
        %dma_start3A_104 = tpu.memref_slice %arg5[%mul3A_101] : memref<2097152xf32, #tpu.memory_space<hbm>> -> memref<4096xf32, #tpu.memory_space<hbm>>
        %dma_start3A_105 = tpu.memref_slice %arg9[%mul3A_96] : memref<8192xf32, #tpu.memory_space<vmem>> -> memref<4096xf32, #tpu.memory_space<vmem>>
        tpu.enqueue_dma source(%dma_start3A_105 : memref<4096xf32, #tpu.memory_space<vmem>>) target(%dma_start3A_104 : memref<4096xf32, #tpu.memory_space<hbm>>) target_semaphore(%arg14 : memref<!tpu.dma_semaphore, #tpu.memory_space<semaphore_mem>>)
      } else {
      }
      %eq3A_88 = arith.constant 1 : i32
      %eq3A_89 = arith.cmpi eq, %rem3A_67, %eq3A_88 : i32
      %convert_element_type3A_90 = arith.extui %eq3A_89 : i1 to i32
      %cond3A_91 = arith.constant 0 : i32
      %cond3A_92 = arith.cmpi ne, %convert_element_type3A_90, %cond3A_91 : i32
      scf.if %cond3A_92 {
        %rem3A_93 = arith.constant 2 : i32
        %rem3A_94 = arith.remsi %scan3A_65, %rem3A_93 : i32
        %mul3A_95 = arith.constant 4096 : i32
        %mul3A_96 = arith.muli %rem3A_94, %mul3A_95 : i32
        %mul3A_97 = arith.constant 16 : i32
        %mul3A_98 = arith.muli %scan3A_65, %mul3A_97 : i32
        %add3A_99 = arith.addi %mul3A_2, %mul3A_98 : i32
        %mul3A_100 = arith.constant 256 : i32
        %mul3A_101 = arith.muli %add3A_99, %mul3A_100 : i32
        %dma_start3A_102 = tpu.memref_slice %arg9[%mul3A_96] : memref<8192xf32, #tpu.memory_space<vmem>> -> memref<4096xf32, #tpu.memory_space<vmem>>
        %dma_start3A_103 = tpu.memref_slice %arg5[%mul3A_101] : memref<2097152xf32, #tpu.memory_space<hbm>> -> memref<4096xf32, #tpu.memory_space<hbm>>
        %dma_start3A_104 = tpu.memref_slice %arg5[%mul3A_101] : memref<2097152xf32, #tpu.memory_space<hbm>> -> memref<4096xf32, #tpu.memory_space<hbm>>
        %dma_start3A_105 = tpu.memref_slice %arg9[%mul3A_96] : memref<8192xf32, #tpu.memory_space<vmem>> -> memref<4096xf32, #tpu.memory_space<vmem>>
        tpu.enqueue_dma source(%dma_start3A_105 : memref<4096xf32, #tpu.memory_space<vmem>>) target(%dma_start3A_104 : memref<4096xf32, #tpu.memory_space<hbm>>) target_semaphore(%arg15 : memref<!tpu.dma_semaphore, #tpu.memory_space<semaphore_mem>>)
      } else {
      }
    }
    %scan3A_49 = arith.constant 16 : i32
    %dma_wait3A = arith.constant 0 : i32
    %dma_wait3A_50 = tpu.memref_slice %arg9[%dma_wait3A] : memref<8192xf32, #tpu.memory_space<vmem>> -> memref<4096xf32, #tpu.memory_space<vmem>>
    %dma_wait3A_51 = arith.constant 0 : i32
    %dma_wait3A_52 = tpu.memref_slice %arg5[%dma_wait3A_51] : memref<2097152xf32, #tpu.memory_space<hbm>> -> memref<4096xf32, #tpu.memory_space<hbm>>
    %dma_wait3A_53 = arith.constant 0 : i32
    %dma_wait3A_54 = tpu.memref_slice %arg5[%dma_wait3A_53] : memref<2097152xf32, #tpu.memory_space<hbm>> -> memref<4096xf32, #tpu.memory_space<hbm>>
    %dma_wait3A_55 = arith.constant 0 : i32
    %dma_wait3A_56 = tpu.memref_slice %arg9[%dma_wait3A_55] : memref<8192xf32, #tpu.memory_space<vmem>> -> memref<4096xf32, #tpu.memory_space<vmem>>
    tpu.wait_dma2 semaphore(%arg14 : memref<!tpu.dma_semaphore, #tpu.memory_space<semaphore_mem>>) src(%dma_wait3A_56 : memref<4096xf32, #tpu.memory_space<vmem>>) dst(%dma_wait3A_54 : memref<4096xf32, #tpu.memory_space<hbm>>)
    %dma_wait3A_57 = arith.constant 0 : i32
    %dma_wait3A_58 = tpu.memref_slice %arg9[%dma_wait3A_57] : memref<8192xf32, #tpu.memory_space<vmem>> -> memref<4096xf32, #tpu.memory_space<vmem>>
    %dma_wait3A_59 = arith.constant 0 : i32
    %dma_wait3A_60 = tpu.memref_slice %arg5[%dma_wait3A_59] : memref<2097152xf32, #tpu.memory_space<hbm>> -> memref<4096xf32, #tpu.memory_space<hbm>>
    %dma_wait3A_61 = arith.constant 0 : i32
    %dma_wait3A_62 = tpu.memref_slice %arg5[%dma_wait3A_61] : memref<2097152xf32, #tpu.memory_space<hbm>> -> memref<4096xf32, #tpu.memory_space<hbm>>
    %dma_wait3A_63 = arith.constant 0 : i32
    %dma_wait3A_64 = tpu.memref_slice %arg9[%dma_wait3A_63] : memref<8192xf32, #tpu.memory_space<vmem>> -> memref<4096xf32, #tpu.memory_space<vmem>>
    tpu.wait_dma2 semaphore(%arg15 : memref<!tpu.dma_semaphore, #tpu.memory_space<semaphore_mem>>) src(%dma_wait3A_64 : memref<4096xf32, #tpu.memory_space<vmem>>) dst(%dma_wait3A_62 : memref<4096xf32, #tpu.memory_space<hbm>>)
    return
  }
}

module attributes {stable_mosaic.version = 14 : i64} {
  func.func @_sel_body(%arg0: i32, %arg1: memref<512x8xf32, #tpu.memory_space<vmem>>, %arg2: memref<512x8xf32, #tpu.memory_space<vmem>>, %arg3: memref<512x1xi32, #tpu.memory_space<vmem>>) attributes {dimension_semantics = [#tpu.dimension_semantics<arbitrary>], iteration_bounds = array<i64: 16>, scalar_prefetch = 0 : i64, scratch_operands = 0 : i64, tpu.core_type = #tpu.core_type<tc>, window_params = [{transform_indices = @transform_0, window_bounds = array<i64: 512, 8>}, {transform_indices = @transform_1, window_bounds = array<i64: 512, 8>}, {transform_indices = @transform_2, window_bounds = array<i64: 512, 1>}]} {
    %get3A = arith.constant 0 : index
    %get3A_0 = arith.constant 0 : index
    %get3A_1 = vector.load %arg1[%get3A, %get3A_0] : memref<512x8xf32, #tpu.memory_space<vmem>>, vector<512x8xf32>
    %get3A_2 = arith.constant 0 : index
    %get3A_3 = arith.constant 0 : index
    %get3A_4 = vector.load %arg2[%get3A_2, %get3A_3] : memref<512x8xf32, #tpu.memory_space<vmem>>, vector<512x8xf32>
    %jit3A = arith.constant 9.99999997E-7 : f32
    %jit3A_5 = arith.constant 0.999998986 : f32
    %max3A = vector.broadcast %jit3A : f32 to vector<512x8xf32>
    %max3A_6 = arith.maximumf %max3A, %get3A_4 : vector<512x8xf32>
    %min3A = vector.broadcast %jit3A_5 : f32 to vector<512x8xf32>
    %min3A_7 = arith.minimumf %min3A, %max3A_6 : vector<512x8xf32>
    %log3A = math.log %min3A_7 : vector<512x8xf32>
    %neg3A = arith.constant 0.000000e+00 : f32
    %neg3A_8 = vector.broadcast %neg3A : f32 to vector<512x8xf32>
    %neg3A_9 = arith.subf %neg3A_8, %log3A : vector<512x8xf32>
    %log3A_10 = math.log %neg3A_9 : vector<512x8xf32>
    %neg3A_11 = arith.constant 0.000000e+00 : f32
    %neg3A_12 = vector.broadcast %neg3A_11 : f32 to vector<512x8xf32>
    %neg3A_13 = arith.subf %neg3A_12, %log3A_10 : vector<512x8xf32>
    %add3A = arith.addf %get3A_1, %neg3A_13 : vector<512x8xf32>
    %reduce_max3A = arith.constant dense<0xFF800000> : vector<512xf32>
    %reduce_max3A_14 = vector.multi_reduction <maximumf>, %add3A, %reduce_max3A [1] : vector<512x8xf32> to vector<512xf32>
    %broadcast_in_dim3A = vector.shape_cast %reduce_max3A_14 : vector<512xf32> to vector<512x1xf32>
    %iota3A = tpu.iota {dimensions = array<i32: 1>} : vector<512x8xi32>
    %eq3A = vector.broadcast %broadcast_in_dim3A : vector<512x1xf32> to vector<512x8xf32>
    %eq3A_15 = arith.cmpf oeq, %add3A, %eq3A : vector<512x8xf32>
    %jit3A_16 = arith.constant 8 : i32
    %broadcast_in_dim3A_17 = vector.broadcast %jit3A_16 : i32 to vector<512x8xi32>
    %select_n3A = arith.select %eq3A_15, %iota3A, %broadcast_in_dim3A_17 : vector<512x8xi1>, vector<512x8xi32>
    %reduce_min3A = arith.constant dense<2147483647> : vector<512xi32>
    %reduce_min3A_18 = vector.multi_reduction <minsi>, %select_n3A, %reduce_min3A [1] : vector<512x8xi32> to vector<512xi32>
    %broadcast_in_dim3A_19 = vector.shape_cast %reduce_min3A_18 : vector<512xi32> to vector<512x1xi32>
    %iota3A_20 = tpu.iota {dimensions = array<i32: 0>} : vector<512x1xi32>
    %mul3A = arith.constant 512 : i32
    %mul3A_21 = arith.muli %mul3A, %arg0 : i32
    %add3A_22 = vector.broadcast %mul3A_21 : i32 to vector<512x1xi32>
    %add3A_23 = arith.addi %iota3A_20, %add3A_22 : vector<512x1xi32>
    %mul3A_24 = arith.constant 4104 : i32
    %mul3A_25 = vector.broadcast %mul3A_24 : i32 to vector<512x1xi32>
    %mul3A_26 = arith.muli %add3A_23, %mul3A_25 : vector<512x1xi32>
    %add3A_27 = arith.constant 8 : i32
    %add3A_28 = vector.broadcast %add3A_27 : i32 to vector<512x1xi32>
    %add3A_29 = arith.addi %mul3A_26, %add3A_28 : vector<512x1xi32>
    %mul3A_30 = arith.constant 512 : i32
    %mul3A_31 = vector.broadcast %mul3A_30 : i32 to vector<512x1xi32>
    %mul3A_32 = arith.muli %broadcast_in_dim3A_19, %mul3A_31 : vector<512x1xi32>
    %add3A_33 = arith.addi %add3A_29, %mul3A_32 : vector<512x1xi32>
    %swap3A = arith.constant 0 : index
    %swap3A_34 = arith.constant 0 : index
    %swap3A_35 = vector.load %arg3[%swap3A, %swap3A_34] : memref<512x1xi32, #tpu.memory_space<vmem>>, vector<512x1xi32>
    tpu.vector_store %arg3[%swap3A, %swap3A_34], %add3A_33 {strides = array<i32>} : memref<512x1xi32, #tpu.memory_space<vmem>>, vector<512x1xi32>,
    return
  }
  func.func @transform_0(%arg0: i32) -> (i32, i32) {
    %c0_i32 = arith.constant 0 : i32
    %c0_i32_0 = arith.constant 0 : i32
    return %arg0, %c0_i32 : i32, i32
  }
  func.func @transform_1(%arg0: i32) -> (i32, i32) {
    %c0_i32 = arith.constant 0 : i32
    %c0_i32_0 = arith.constant 0 : i32
    return %arg0, %c0_i32 : i32, i32
  }
  func.func @transform_2(%arg0: i32) -> (i32, i32) {
    %c0_i32 = arith.constant 0 : i32
    %c0_i32_0 = arith.constant 0 : i32
    return %arg0, %c0_i32 : i32, i32
  }
}

</mosaic_0001>

<sc_bundles>
// kernel: kernel.4.cloned.1.call-start
scs
__scs_entry_jumppad:
0x0: {  	(pc) =	sbr.rel $0x88, $3  }
0x1: {  	(tag) =	ssettag $0x0;
	lr =	simm.s32 $0x1  }
0x2: {  	[smem:$0x3F9E] =	sst lr;
	_ =	strace $0xD0000000  }
0x3: {  	_ = 	snop  }
0x4: {  	_ = 	snop  }
0x5: {  	_ = 	snop  }
0x6: {  	_ = 	snop  }
0x7: {  	_ = 	snop  }
__scs_overlays_trampoline_lowered:
0x8: {  	[smem:$0x3FAD] =	sst s0  }
0x9: {  	[smem:$0x3FAE] =	sst s1  }
0xa: {  	[smem:$0x3FAF] =	sst s2  }
0xb: {  	[smem:$0x3FB0] =	sst s3  }
0xc: {  	[smem:$0x3FB1] =	sst s4  }
0xd: {  	[smem:$0x3FB2] =	sst s5  }
0xe: {  	[smem:$0x3FB3] =	sst s6  }
0xf: {  	[smem:$0x3FB4] =	sst s7  }
0x10: {  	[smem:$0x3FB5] =	sst s8  }
0x11: {  	[smem:$0x3FB6] =	sst s9;
	s0 =	simm.s32 @!p0 $0x0  }
0x12: {  	s1 =	sld [smem:$0x3F9C];
	s0 =	simm.s32 @p0 $0x1  }
0x13: {  	[smem:$0x3FB7] =	sst s0;
	s0 =	simm.s32 @!p1 $0x0  }
0x14: {  	s2 =	sld [smem:$0x3F9B];
	s0 =	simm.s32 @p1 $0x1  }
0x15: {  	[smem:$0x3FB8] =	sst s0;
	s0 =	simm.s32 @!p2 $0x0  }
0x16: {  	s3 =	sld [smem:$0x3FDB];
	s0 =	simm.s32 @p2 $0x1  }
0x17: {  	s4 =	simm.s32 $0x1BF5;
	[smem:$0x3FBA] =	sst s0  }
0x18: {  	s0 =	sld [smem:$0x3F9D];
	_ =	swait.ge [sflag:s4], $0x0  }
0x19: {  	s7 =	sld [smem:$0x3F9E]  }
0x1a: {  	s8 =	sadd.s32 $0xFFFFE003, lr  }
0x1b: {  	s9 =	sadd.s32 $0xFFFFFEF7, lr;
	s5 =	simm.s32 $0xFFFFFFFF;
	p2 =	slt.u32 s8, $0xFFFFF086  }
0x1c: {  	p1 =	slt.u32 s9, $0xF7A;
	s5 =	simm.s32 @!p2 $0x0  }
0x1d: {  	s5 =	simm.s32 @p1 $0x1;
	p0 =	seq.s32 s7, s2  }
0x1e: {  	s7 =	smul.u32 @!p0 $0xF7A, s2;
	p2 =	seq.s32 @!p0 s5, $0x0  }
0x1f: {  	s9 =	smul.u32 $0xF7A, s1;
	s8 =	simm.s32 @!p0 $0x1BF5;
	p2 =	por !p2, p0  }
0x20: {  	[sflag:s8] =	ssyncset.s32 @!p0 $0xFFFFF086;
	s6 =	sadd.s32 @!p0 s3, s7;
	s7 =	simm.s32 @!p0 $0x108  }
0x21: {  	s3 =	sadd.s32 s3, s9;
	s6 =	sadd.s32 @!p0 $0x88, s6;
	s7 =	simm.s32 @p2 $0x1082  }
0x22: {  	[simem:s7], [sflag:s8] =	dma.local @!p0 [hbm:s6], $0xF7A  }
0x23: {  	s9 =	sor.u32 $0xD0000000, s2;
	s6 =	simm.s32 $0x108;
	_ =	swait.ge @!p0 [sflag:s8], $0x0  }
0x24: {  	s3 =	sadd.s32 $0x88, s3;
	s6 =	simm.s32 @!p1 $0x1082;
	[sflag:s4] =	ssyncset.s32 $0xFFFFF086  }
0x25: {  	[simem:s6], [sflag:s4] =	dma.local [hbm:s3], $0xF7A  }
0x26: {  	[smem:$0x3F9E] =	sst s1;
	(tag) =	ssettag s2;
	_ =	strace s9  }
0x27: {  	s1 =	sld [smem:$0x3FAE]  }
0x28: {  	s2 =	sld [smem:$0x3FAF]  }
0x29: {  	s4 =	sld [smem:$0x3FB1]  }
0x2a: {  	p0 =	seq.s32 s5, $0x0;
	s5 =	sld [smem:$0x3FB2]  }
0x2b: {  	s6 =	sld [smem:$0x3FB3]  }
0x2c: {  	s7 =	sld [smem:$0x3FB4]  }
0x2d: {  	s3 =	simm.s32 $0x108;
	s8 =	sld [smem:$0x3FB5]  }
0x2e: {  	s3 =	simm.s32 @!p0 $0x1082;
	s9 =	sld [smem:$0x3FB6]  }
0x2f: {  	lr =	sadd.s32 s0, s3;
	s0 =	sld [smem:$0x3FAD]  }
0x30: {  	s3 =	sld [smem:$0x3FB0]  }
0x31: {  	[smem:$0x3FB9] =	sst s10  }
0x32: {  	s10 =	sld [smem:$0x3FB7];
	_ =	sdelay $0x3  }
0x33: {  	p0 =	seq.s32 s10, $0x1;
	s10 =	sld [smem:$0x3FB9];
	_ =	sdelay $0x3  }
0x34: {  	[smem:$0x3FB9] =	sst s10  }
0x35: {  	s10 =	sld [smem:$0x3FB8];
	_ =	sdelay $0x3  }
0x36: {  	p1 =	seq.s32 s10, $0x1;
	s10 =	sld [smem:$0x3FB9];
	_ =	sdelay $0x3  }
0x37: {  	[smem:$0x3FB9] =	sst s10  }
0x38: {  	s10 =	sld [smem:$0x3FBA]  }
0x39: {  	_ = 	snop;
	(pc) =	sbr.ind lr, $3  }
0x3a: {  	_ = 	snop  }
0x3b: {  	_ = 	snop  }
0x3c: {  	p2 =	seq.s32 s10, $0x1;
	s10 =	sld [smem:$0x3FB9]  }
0x3d: {  	_ =	shalt  }
0x3e: {  	_ =	shalt  }
0x3f: {  	_ =	shalt  }
0x40: {  	_ =	shalt  }
0x41: {  	_ =	shalt  }
0x42: {  	_ =	shalt  }
0x43: {  	_ =	shalt  }
0x44: {  	_ =	shalt  }
0x45: {  	_ =	shalt  }
0x46: {  	_ =	shalt  }
0x47: {  	_ =	shalt  }
0x48: {  	_ =	shalt  }
0x49: {  	_ =	shalt  }
0x4a: {  	_ =	shalt  }
0x4b: {  	_ =	shalt  }
0x4c: {  	_ =	shalt  }
0x4d: {  	_ =	shalt  }
0x4e: {  	_ =	shalt  }
0x4f: {  	_ =	shalt  }
0x50: {  	_ =	shalt  }
0x51: {  	_ =	shalt  }
0x52: {  	_ =	shalt  }
0x53: {  	_ =	shalt  }
0x54: {  	_ =	shalt  }
0x55: {  	_ =	shalt  }
0x56: {  	_ =	shalt  }
0x57: {  	_ =	shalt  }
0x58: {  	_ =	shalt  }
0x59: {  	_ =	shalt  }
0x5a: {  	_ =	shalt  }
0x5b: {  	_ =	shalt  }
0x5c: {  	_ =	shalt  }
0x5d: {  	_ =	shalt  }
0x5e: {  	_ =	shalt  }
0x5f: {  	_ =	shalt  }
0x60: {  	_ =	shalt  }
0x61: {  	_ =	shalt  }
0x62: {  	_ =	shalt  }
0x63: {  	_ =	shalt  }
0x64: {  	_ =	shalt  }
0x65: {  	_ =	shalt  }
0x66: {  	_ =	shalt  }
0x67: {  	_ =	shalt  }
0x68: {  	_ =	shalt  }
0x69: {  	_ =	shalt  }
0x6a: {  	_ =	shalt  }
0x6b: {  	_ =	shalt  }
0x6c: {  	_ =	shalt  }
0x6d: {  	_ =	shalt  }
0x6e: {  	_ =	shalt  }
0x6f: {  	_ =	shalt  }
0x70: {  	_ =	shalt  }
0x71: {  	_ =	shalt  }
0x72: {  	_ =	shalt  }
0x73: {  	_ =	shalt  }
0x74: {  	_ =	shalt  }
0x75: {  	_ =	shalt  }
0x76: {  	_ =	shalt  }
0x77: {  	_ =	shalt  }
0x78: {  	_ =	shalt  }
0x79: {  	_ =	shalt  }
0x7a: {  	_ =	shalt  }
0x7b: {  	_ =	shalt  }
0x7c: {  	_ =	shalt  }
0x7d: {  	_ =	shalt  }
0x7e: {  	_ =	shalt  }
0x7f: {  	_ =	shalt  }
0x80: {  	_ =	shalt  }
0x81: {  	_ =	shalt  }
0x82: {  	_ =	shalt  }
0x83: {  	_ =	shalt  }
0x84: {  	_ =	shalt  }
0x85: {  	_ =	shalt  }
0x86: {  	_ =	shalt  }
0x87: {  	_ =	shalt  }
.Lfunc_end0:
.L_simem_size_0:
called_computation_lowered:
.L_overlay_start_0:
0x88: {  	s2 =	sld [smem:$0x3FD9]  }
0x89: {  	s3 =	sld [smem:$0x3FFE];
	_ =	sdelay $0x1  }
0x8a: {  	s1 =	srdreg.scid  }
0x8b: {  	s0 =	sand.u32 $0x1, s1  }
0x8c: {  	s17 =	sshll.u32 s0, $0xA;
	s2 =	sadd.s32 s3, s2  }
0x8d: {  	s2 =	sadd.s32 s2, s17  }
0x8e: {  	[smem:$0x3FC5] =	sst s2  }
0x8f: {  	_ = 	snop  }
0x90: {  	s2 =	sld [smem:$0x3FD0];
	(tm) =	ssettm $0x1  }
0x91: {  	s18 =	sld [smem:$0x3FFB];
	_ =	sdelay $0x3  }
0x92: {  	_ =	strace s18  }
0x93: {  	s3 =	sld [smem:$0x3FFC];
	_ =	sdelay $0x3  }
0x94: {  	_ =	strace s3  }
0x95: {  	s3 =	sld [smem:$0x3FFD];
	_ =	sdelay $0x3  }
0x96: {  	_ =	strace s3  }
0x97: {  	_ =	strace $0x8FFFFFFF  }
0x98: {  	s19 =	sld [smem:$0x3FDB];
	_ =	sdelay $0x1  }
0x99: {  	s4 =	simm.s32 $_scs_section_size  }
0x9a: {  	s5 =	simm.s32 $_size__tile_overlayer_lowered;
	s6 =	simm.s32 $_tile_overlayer_lowered  }
0x9b: {  	s22 =	simm.s32 $0x1BFF;
	s21 =	sshll.u32 s6, $0x1;
	s3 =	sadd.s32 s4, s19  }
0x9c: {  	s7 =	simm.s32 $0x0;
	s20 =	sshll.u32 s5, $0x1;
	s5 =	sadd.s32 s21, s3  }
0x9d: {  	[timem:s7], [sflag:s22] =	dma.local [hbm:s5], s20  }
0x9e: {  	_ =	swait.ge [sflag:s22], s20  }
0x9f: {  	s4 =	ssub.s32 $0x0, s20;
	[sflag:s22] =	ssyncset.done $0x0  }
0xa0: {  	[sflag:s22] =	ssyncadd.s32 s4;
	_ =	sdelay $0x1  }
0xa1: {  	s23 =	simm.s32 $0x1B8B  }
0xa2: {  	_ =	swait.ge [sflag:s23], $0x1  }
0xa3: {  	[sflag:s23] =	ssyncset.done $0x0  }
0xa4: {  	s25 =	simm.s32 $0x1B8E;
	s24 =	sld [smem:$0x3FFE];
	[sflag:s23] =	ssyncadd.s32 $0xFFFFFFFF  }
0xa5: {  	s26 =	simm.s32 $execute0_lowered;
	[smem:$0x3FD2] =	sst s25  }
0xa6: {  	s5 =	sshll.u32 s26, $0x1;
	_ =	strace $0x80000046;
	[dreg:$0x1] =	wrdreg $0xFFFFFFFF  }
0xa7: {  	s28 =	simm.s32 $_size_execute0_lowered;
	s3 =	sadd.s32 s3, s5;
	[dreg:$0x0] =	wrdreg $0x0  }
0xa8: {  	s5 =	sshll.u32 s28, $0x1;
	[dreg:$0x2] =	wrdreg s3  }
0xa9: {  	[dreg:$0x3] =	wrdreg s5  }
0xaa: {  	[dreg:$0x4] =	wrdreg $0xC0  }
0xab: {  	_ =	task [dreg:s7], $0x5FFFF  }
0xac: {  	[dreg:$0x1] =	wrdreg $0xFFFFFFFF  }
0xad: {  	[dreg:$0x0] =	wrdreg $0x60  }
0xae: {  	[dreg:$0x2] =	wrdreg s24  }
0xaf: {  	[dreg:$0x3] =	wrdreg s2  }
0xb0: {  	[dreg:$0x4] =	wrdreg $0x9  }
0xb1: {  	_ =	task.clear_ibuf [dreg:s7], $0x5FFFF;
	_ =	strace $0x90000046  }
0xb2: {  	s29 =	simm.s32 $0x9;
	_ =	strace $0x80000048  }
0xb3: {  	_ =	swait.ge [sflag:s29], $0x1  }
0xb4: {  	[sflag:s29] =	ssyncadd.s32 $0xFFFFFFFF  }
0xb5: {  	_ =	strace $0x90000048  }
0xb6: {  	_ =	sfence  }
0xb7: {  	s30 =	sld [smem:$0x0];
	_ =	sdelay $0x2  }
0xb8: {  	s31 =	sshll.u32 s1, $0xD;
	s1 =	sshrl.u32 s1, $0x2  }
0xb9: {  	s3 =	sand.u32 $0x4000, s31;
	s1 =	sadd.s32 s1, s30  }
0xba: {  	s0 =	sor.u32 s3, s0;
	s1 =	sshll.u32 s1, $0x11  }
0xbb: {  	s0 =	sor.u32 s1, s0  }
0xbc: {  	s0 =	sadd.s32 $0x8F2B, s0  }
0xbd: {  	[sflag:s0] =	ssyncadd.remote.s32 $0x1  }
0xbe: {  	_ =	sfence.sel $0xFFFF  }
0xbf: {  	[dreg:$0x0] =	wrdreg $0xFFFFFFFF;
	(pc) =	sbr.abs _section_cstart, $3  }
0xc0: {  	[dreg:$0x1] =	wrdreg $0xFFFFFFFF  }
0xc1: {  	_ =	task.clear_ibuf [dreg:s7], $0x2FFFF;
	_ =	strace $0x9FFFFFFF  }
0xc2: {  	(tm) =	ssettm $0x7FFFFFFF  }
0xc3: {  	_ =	shalt  }
tec
execute0_lowered:
.L_overlay_start_1:
0x0: {  	(tag) =	ssettag $0x1  }
0x1: {  	s4 =	rddreg [dreg:$0x0]  }
0x2: {  	s5 =	rddreg [dreg:$0x1]  }
0x3: {  	s0 =	rddreg [dreg:$0x2];
	s3 =	srdreg.scid  }
0x4: {  	s1 =	stileid.u32;
	s2 =	simm.s32 $0x0;
	s11 =	simm.s32 $0x9180  }
0x5: {  	s12 =	simm.s32 $0x1;
	s13 =	simm.s32 $0x3;
	s14 =	simm.s32 $0x2  }
0x6: {  	s15 =	simm.s32 $0x5;
	s16 =	simm.s32 $0x6;
	s17 =	simm.s32 $0x4  }
0x7: {  	s18 =	simm.s32 $0x0;
	s6 =	sand.u32 $0x1, s3;
	s31 =	sshll.u32 s1, $0x1  }
0x8: {  	[smem:$0x7FF] =	sst s2;
	s3 =	sadd.s32 $0x420400, s4;
	s7 =	sor.u32 s6, s31  }
0x9: {  	_ =	strace $0x80000047;
	s6 =	ssub.s32 $0x2, s6;
	s8 =	sshll.u32 s7, $0x5  }
0xa: {  	s7 =	sshll.u32 s7, $0xD;
	s10 =	sshrl.u32 s6, $0x1;
	s8 =	sadd.s32 s8, s4  }
0xb: {  	s9 =	sadd.s32 s7, s4;
	s4 =	sadd.s32 s5, s7;
	s10 =	ssub.s32 s6, s10  }
0xc: {  	s5 =	sadd.s32 $0x400, s8;
	s6 =	sadd.s32 $0x200, s4;
	s7 =	sadd.s32 $0x800, s9  }
0xd: {  	s8 =	smax.u32 s10, $0x1;
	s9 =	simm.s32 $0x7;
	s10 =	simm.s32 $0x8180  }
.LBB2_1:
0xe: {  	[tilespmem:s2], [sflag:$0x7] =	stream.linear.gather [hbm4b:s5+s2], $0x100, $0x38;
	[tilespmem:$0xC180] =	vst v63  }
0xf: {  	_ =	swait.ge [sflag:s9], $0x100  }
0x10: {  	[sflag:s9] =	ssyncset.done $0x0  }
0x11: {  	s19 =	simm.s32 $0x0;
	[sflag:s9] =	ssyncadd.s32 $0xFFFFFF00  }
0x12: {  	v0 =	vld [tilespmem:s19+$0x0];
	_ =	sdelay $0x4  }
0x13: {  	(v2sf) =	vpush v0, $0x0;
	_ =	sdelay $0xe  }
0x14: {  	s30 =	spop (v2sf)  }
0x15: {  	s20 =	sshrl.u32 s30, $0x3  }
0x16: {  	s31 =	simm.s32 $0x1;
	s19 =	simm.s32 $0x180;
	s20 =	sadd.s32 s3, s20  }
0x17: {  	[tilespmem:s19], [sflag:$0x1] =	stream.linear.gather [hbm4b:s20+s2], $0x200, $0x38;
	[tilespmem:$0xC180] =	vst v63  }
0x18: {  	s20 =	simm.s32 $0x8;
	v0 =	vld [tilespmem:s31+$0x0]  }
.LBB2_2:
0x19: {  	p0 =	sne.s32 s20, $0x3C;
	_ =	sdelay $0x3  }
0x1a: {  	(v2sf) =	vpush v0, $0x0;
	_ =	sdelay $0xe  }
.Ltmp0:
0x1b: {  	s21 =	spop (v2sf);
	(pc) =	sbr.rel @p0 .LBB2_2-.Ltmp0, $4  }
0x1c: {  	s21 =	sshrl.u32 s21, $0x3  }
0x1d: {  	s22 =	sshra.s32 s20, $0x2;
	s19 =	sadd.s32 $0x200, s19;
	s21 =	sadd.s32 s3, s21  }
0x1e: {  	[tilespmem:s19], [sflag:$0x1] =	stream.linear.gather [hbm4b:s21+s2], $0x200, $0x38;
	[tilespmem:$0xC180] =	vst v63  }
0x1f: {  	s20 =	sadd.s32 $0x4, s20;
	v0 =	vld [tilespmem:s22+$0x0]  }
0x20: {  	_ =	sdelay $0x3  }
0x21: {  	(v2sf) =	vpush v0, $0x0;
	_ =	sdelay $0xe  }
0x22: {  	s20 =	spop (v2sf)  }
0x23: {  	s20 =	sshrl.u32 s20, $0x3  }
0x24: {  	s19 =	sadd.s32 $0x200, s19;
	s20 =	sadd.s32 s3, s20  }
0x25: {  	[tilespmem:s19], [sflag:$0x1] =	stream.linear.gather [hbm4b:s20+s2], $0x200, $0x38;
	[tilespmem:$0xC180] =	vst v63  }
0x26: {  	s26 =	simm.s32 $0x0;
	s28 =	simm.s32 $0x0  }
0x27: {  	[tilespmem:s10], [sflag:$0x3] =	stream.linear.gather [hbm4b:s4+s26], $0x1000, $0x38;
	[tilespmem:$0xC180] =	vst v63  }
0x28: {  	v0 =	vld [tilespmem:s28+$0x10];
	_ =	sdelay $0x4  }
0x29: {  	(v2sf) =	vpush v0, $0x0;
	_ =	sdelay $0xe  }
0x2a: {  	s29 =	spop (v2sf)  }
0x2b: {  	s30 =	sshrl.u32 s29, $0x3  }
0x2c: {  	s31 =	simm.s32 $0x1;
	s19 =	simm.s32 $0x2180;
	s20 =	sadd.s32 s3, s30  }
0x2d: {  	[tilespmem:s19], [sflag:$0x2] =	stream.linear.gather [hbm4b:s20+s2], $0x200, $0x38;
	[tilespmem:$0xC180] =	vst v63  }
0x2e: {  	s20 =	simm.s32 $0x8;
	v0 =	vld [tilespmem:s31+$0x10]  }
.LBB2_4:
0x2f: {  	p0 =	sne.s32 s20, $0x3C;
	_ =	sdelay $0x3  }
0x30: {  	(v2sf) =	vpush v0, $0x0;
	_ =	sdelay $0xe  }
.Ltmp1:
0x31: {  	s21 =	spop (v2sf);
	(pc) =	sbr.rel @p0 .LBB2_4-.Ltmp1, $4  }
0x32: {  	s21 =	sshrl.u32 s21, $0x3  }
0x33: {  	s22 =	sshra.s32 s20, $0x2;
	s19 =	sadd.s32 $0x200, s19;
	s21 =	sadd.s32 s3, s21  }
0x34: {  	[tilespmem:s19], [sflag:$0x2] =	stream.linear.gather [hbm4b:s21+s2], $0x200, $0x38;
	[tilespmem:$0xC180] =	vst v63  }
0x35: {  	s20 =	sadd.s32 $0x4, s20;
	v0 =	vld [tilespmem:s22+$0x10]  }
0x36: {  	_ =	sdelay $0x3  }
0x37: {  	(v2sf) =	vpush v0, $0x0;
	_ =	sdelay $0xe  }
0x38: {  	s20 =	spop (v2sf)  }
0x39: {  	s20 =	sshrl.u32 s20, $0x3  }
0x3a: {  	s19 =	sadd.s32 $0x200, s19;
	s20 =	sadd.s32 s3, s20  }
0x3b: {  	[tilespmem:s19], [sflag:$0x2] =	stream.linear.gather [hbm4b:s20+s2], $0x200, $0x38;
	[tilespmem:$0xC180] =	vst v63  }
0x3c: {  	p0 =	por $0x0, $0x0;
	s19 =	simm.s32 $0x0;
	s20 =	simm.s32 $0x0  }
0x3d: {  	[tilespmem:s11], [sflag:$0x4] =	stream.linear.gather [hbm4b:s6+s19], $0x1000, $0x38;
	[tilespmem:$0xC180] =	vst v63  }
.LBB2_6:
0x3e: {  	s21 =	sand.u32 $0x1, s20  }
0x3f: {  	p1 =	seq.s32 s21, $0x0  }
.Ltmp2:
0x40: {  	_ = 	snop;
	(pc) =	sbr.rel @!p1 .LBB2_7-.Ltmp2, $1  }
0x41: {  	_ =	sdelay $0x3  }
0x42: {  	_ =	swait.ge [sflag:s12], $0x200  }
0x43: {  	[sflag:s12] =	ssyncset.done $0x0  }
0x44: {  	[sflag:s12] =	ssyncadd.s32 $0xFFFFFE00  }
0x45: {  	_ =	swait.ge [sflag:s12], $0x200  }
0x46: {  	[sflag:s12] =	ssyncset.done $0x0  }
0x47: {  	[sflag:s12] =	ssyncadd.s32 $0xFFFFFE00  }
0x48: {  	_ =	swait.ge [sflag:s12], $0x200  }
0x49: {  	[sflag:s12] =	ssyncset.done $0x0  }
0x4a: {  	[sflag:s12] =	ssyncadd.s32 $0xFFFFFE00  }
0x4b: {  	_ =	swait.ge [sflag:s12], $0x200  }
0x4c: {  	[sflag:s12] =	ssyncset.done $0x0  }
0x4d: {  	[sflag:s12] =	ssyncadd.s32 $0xFFFFFE00  }
0x4e: {  	_ =	swait.ge [sflag:s12], $0x200  }
0x4f: {  	[sflag:s12] =	ssyncset.done $0x0  }
0x50: {  	[sflag:s12] =	ssyncadd.s32 $0xFFFFFE00  }
0x51: {  	_ =	swait.ge [sflag:s12], $0x200  }
0x52: {  	[sflag:s12] =	ssyncset.done $0x0  }
0x53: {  	[sflag:s12] =	ssyncadd.s32 $0xFFFFFE00  }
0x54: {  	_ =	swait.ge [sflag:s12], $0x200  }
0x55: {  	[sflag:s12] =	ssyncset.done $0x0  }
0x56: {  	[sflag:s12] =	ssyncadd.s32 $0xFFFFFE00  }
0x57: {  	_ =	swait.ge [sflag:s12], $0x200  }
0x58: {  	[sflag:s12] =	ssyncset.done $0x0  }
0x59: {  	[sflag:s12] =	ssyncadd.s32 $0xFFFFFE00  }
0x5a: {  	_ =	swait.ge [sflag:s12], $0x200  }
0x5b: {  	[sflag:s12] =	ssyncset.done $0x0  }
0x5c: {  	[sflag:s12] =	ssyncadd.s32 $0xFFFFFE00  }
0x5d: {  	_ =	swait.ge [sflag:s12], $0x200  }
0x5e: {  	[sflag:s12] =	ssyncset.done $0x0  }
0x5f: {  	[sflag:s12] =	ssyncadd.s32 $0xFFFFFE00  }
0x60: {  	_ =	swait.ge [sflag:s12], $0x200  }
0x61: {  	[sflag:s12] =	ssyncset.done $0x0  }
0x62: {  	[sflag:s12] =	ssyncadd.s32 $0xFFFFFE00  }
0x63: {  	_ =	swait.ge [sflag:s12], $0x200  }
0x64: {  	[sflag:s12] =	ssyncset.done $0x0  }
0x65: {  	[sflag:s12] =	ssyncadd.s32 $0xFFFFFE00  }
0x66: {  	_ =	swait.ge [sflag:s12], $0x200  }
0x67: {  	[sflag:s12] =	ssyncset.done $0x0  }
0x68: {  	[sflag:s12] =	ssyncadd.s32 $0xFFFFFE00  }
0x69: {  	_ =	swait.ge [sflag:s12], $0x200  }
0x6a: {  	[sflag:s12] =	ssyncset.done $0x0  }
0x6b: {  	[sflag:s12] =	ssyncadd.s32 $0xFFFFFE00  }
0x6c: {  	_ =	swait.ge [sflag:s12], $0x200  }
0x6d: {  	[sflag:s12] =	ssyncset.done $0x0  }
0x6e: {  	[sflag:s12] =	ssyncadd.s32 $0xFFFFFE00  }
0x6f: {  	_ =	swait.ge [sflag:s12], $0x200  }
0x70: {  	p1 =	slt.u32 s20, $0x2;
	[sflag:s12] =	ssyncset.done $0x0  }
0x71: {  	p2 =	sgt.u32 @!p1 s20, $0xD;
	[sflag:s12] =	ssyncadd.s32 $0xFFFFFE00  }
0x72: {  	p2 =	por p1, !p2;
	_ =	swait.ge [sflag:s13], $0x1000  }
.Ltmp3:
0x73: {  	[sflag:s13] =	ssyncset.done $0x0;
	(pc) =	sbr.rel @!p2 .LBB2_15-.Ltmp3, $4  }
0x74: {  	s22 =	simm.s32 @!p1 $0x5;
	[sflag:s13] =	ssyncadd.s32 $0xFFFFF000  }
0x75: {  	_ =	swait.ge @!p1 [sflag:s22], $0x1000  }
0x76: {  	[sflag:s22] =	ssyncset.done @!p1 $0x0  }
0x77: {  	[sflag:s22] =	ssyncadd.s32 @!p1 $0xFFFFF000  }
0x78: {  	s22 =	sadd.s32 @!p1 $0x2, s20  }
0x79: {  	s22 =	simm.s32 @p1 $0x2  }
0x7a: {  	s23 =	sshll.u32 s22, $0x4  }
0x7b: {  	s23 =	sand.u32 $0x3FFFFFF0, s23  }
0x7c: {  	v0 =	vmov s23;
	_ =	sdelay $0x3  }
0x7d: {  	s29 =	simm.s32 $0x0  }
0x7e: {  	v1 =	vld.idx.msk [tilespmem:v0+s29+$0x0 ss:$0x1], $0xffff;
	_ =	sdelay $0x4  }
0x7f: {  	(v2sf) =	vpush v1, $0x0;
	_ =	sdelay $0xe  }
0x80: {  	s30 =	sshll.u32 s22, $0xD;
	s24 =	spop (v2sf)  }
0x81: {  	s23 =	sand.u32 $0x4000, s30;
	s24 =	sshrl.u32 s24, $0x3  }
0x82: {  	s31 =	simm.s32 $0x1;
	s23 =	sor.u32 $0x180, s23;
	s24 =	sadd.s32 s3, s24  }
0x83: {  	[tilespmem:s23], [sflag:$0x1] =	stream.linear.gather [hbm4b:s24+s2], $0x200, $0x38;
	[tilespmem:$0xC180] =	vst v63  }
0x84: {  	s24 =	simm.s32 $0x8;
	v1 =	vld.idx.msk [tilespmem:v0+s31+$0x0 ss:$0x1], $0xffff  }
.LBB2_13:
0x85: {  	p1 =	sne.s32 s24, $0x3C;
	_ =	sdelay $0x4  }
0x86: {  	(v2sf) =	vpush v1, $0x0;
	_ =	sdelay $0xe  }
.Ltmp4:
0x87: {  	s25 =	spop (v2sf);
	(pc) =	sbr.rel @p1 .LBB2_13-.Ltmp4, $4  }
0x88: {  	s25 =	sshrl.u32 s25, $0x3  }
0x89: {  	s26 =	sshra.s32 s24, $0x2;
	s23 =	sadd.s32 $0x200, s23;
	s25 =	sadd.s32 s3, s25  }
0x8a: {  	[tilespmem:s23], [sflag:$0x1] =	stream.linear.gather [hbm4b:s25+s2], $0x200, $0x38;
	[tilespmem:$0xC180] =	vst v63  }
0x8b: {  	s24 =	sadd.s32 $0x4, s24;
	v1 =	vld.idx.msk [tilespmem:v0+s26+$0x0 ss:$0x1], $0xffff  }
0x8c: {  	_ =	sdelay $0x3  }
0x8d: {  	(v2sf) =	vpush v1, $0x0;
	_ =	sdelay $0xe  }
0x8e: {  	s24 =	spop (v2sf)  }
.Ltmp5:
0x8f: {  	s24 =	sshrl.u32 s24, $0x3;
	(pc) =	sbr.rel .LBB2_15-.Ltmp5, $4  }
0x90: {  	s23 =	sadd.s32 $0x200, s23;
	s22 =	sshll.u32 s22, $0x9;
	s24 =	sadd.s32 s3, s24  }
0x91: {  	[tilespmem:s23], [sflag:$0x1] =	stream.linear.gather [hbm4b:s24+s2], $0x200, $0x38;
	[tilespmem:$0xC180] =	vst v63  }
0x92: {  	s22 =	sadd.s32 s22, s4  }
0x93: {  	[tilespmem:s10], [sflag:$0x3] =	stream.linear.gather [hbm4b:s22+s2], $0x1000, $0x38;
	[tilespmem:$0xC180] =	vst v63  }
.LBB2_7:
0x94: {  	_ =	swait.ge [sflag:s14], $0x200  }
0x95: {  	[sflag:s14] =	ssyncset.done $0x0  }
0x96: {  	[sflag:s14] =	ssyncadd.s32 $0xFFFFFE00  }
0x97: {  	_ =	swait.ge [sflag:s14], $0x200  }
0x98: {  	[sflag:s14] =	ssyncset.done $0x0  }
0x99: {  	[sflag:s14] =	ssyncadd.s32 $0xFFFFFE00  }
0x9a: {  	_ =	swait.ge [sflag:s14], $0x200  }
0x9b: {  	[sflag:s14] =	ssyncset.done $0x0  }
0x9c: {  	[sflag:s14] =	ssyncadd.s32 $0xFFFFFE00  }
0x9d: {  	_ =	swait.ge [sflag:s14], $0x200  }
0x9e: {  	[sflag:s14] =	ssyncset.done $0x0  }
0x9f: {  	[sflag:s14] =	ssyncadd.s32 $0xFFFFFE00  }
0xa0: {  	_ =	swait.ge [sflag:s14], $0x200  }
0xa1: {  	[sflag:s14] =	ssyncset.done $0x0  }
0xa2: {  	[sflag:s14] =	ssyncadd.s32 $0xFFFFFE00  }
0xa3: {  	_ =	swait.ge [sflag:s14], $0x200  }
0xa4: {  	[sflag:s14] =	ssyncset.done $0x0  }
0xa5: {  	[sflag:s14] =	ssyncadd.s32 $0xFFFFFE00  }
0xa6: {  	_ =	swait.ge [sflag:s14], $0x200  }
0xa7: {  	[sflag:s14] =	ssyncset.done $0x0  }
0xa8: {  	[sflag:s14] =	ssyncadd.s32 $0xFFFFFE00  }
0xa9: {  	_ =	swait.ge [sflag:s14], $0x200  }
0xaa: {  	[sflag:s14] =	ssyncset.done $0x0  }
0xab: {  	[sflag:s14] =	ssyncadd.s32 $0xFFFFFE00  }
0xac: {  	_ =	swait.ge [sflag:s14], $0x200  }
0xad: {  	[sflag:s14] =	ssyncset.done $0x0  }
0xae: {  	[sflag:s14] =	ssyncadd.s32 $0xFFFFFE00  }
0xaf: {  	_ =	swait.ge [sflag:s14], $0x200  }
0xb0: {  	[sflag:s14] =	ssyncset.done $0x0  }
0xb1: {  	[sflag:s14] =	ssyncadd.s32 $0xFFFFFE00  }
0xb2: {  	_ =	swait.ge [sflag:s14], $0x200  }
0xb3: {  	[sflag:s14] =	ssyncset.done $0x0  }
0xb4: {  	[sflag:s14] =	ssyncadd.s32 $0xFFFFFE00  }
0xb5: {  	_ =	swait.ge [sflag:s14], $0x200  }
0xb6: {  	[sflag:s14] =	ssyncset.done $0x0  }
0xb7: {  	[sflag:s14] =	ssyncadd.s32 $0xFFFFFE00  }
0xb8: {  	_ =	swait.ge [sflag:s14], $0x200  }
0xb9: {  	[sflag:s14] =	ssyncset.done $0x0  }
0xba: {  	[sflag:s14] =	ssyncadd.s32 $0xFFFFFE00  }
0xbb: {  	_ =	swait.ge [sflag:s14], $0x200  }
0xbc: {  	[sflag:s14] =	ssyncset.done $0x0  }
0xbd: {  	[sflag:s14] =	ssyncadd.s32 $0xFFFFFE00  }
0xbe: {  	_ =	swait.ge [sflag:s14], $0x200  }
0xbf: {  	[sflag:s14] =	ssyncset.done $0x0  }
0xc0: {  	[sflag:s14] =	ssyncadd.s32 $0xFFFFFE00  }
0xc1: {  	_ =	swait.ge [sflag:s14], $0x200  }
0xc2: {  	p1 =	sgt.u32 s20, $0x1;
	[sflag:s14] =	ssyncset.done $0x0  }
0xc3: {  	p2 =	sgt.u32 @p1 s20, $0xD;
	[sflag:s14] =	ssyncadd.s32 $0xFFFFFE00  }
0xc4: {  	p2 =	por !p1, !p2;
	_ =	swait.ge [sflag:s17], $0x1000  }
.Ltmp6:
0xc5: {  	[sflag:s17] =	ssyncset.done $0x0;
	(pc) =	sbr.rel @!p2 .LBB2_15-.Ltmp6, $4  }
0xc6: {  	s22 =	simm.s32 @p1 $0x6;
	[sflag:s17] =	ssyncadd.s32 $0xFFFFF000  }
0xc7: {  	_ =	swait.ge @p1 [sflag:s22], $0x1000  }
0xc8: {  	[sflag:s22] =	ssyncset.done @p1 $0x0  }
0xc9: {  	[sflag:s22] =	ssyncadd.s32 @p1 $0xFFFFF000  }
0xca: {  	s22 =	smax.u32 s20, $0x1  }
0xcb: {  	s23 =	sshll.u32 s22, $0x4  }
0xcc: {  	s23 =	sand.u32 $0x3FFFFFF0, s23  }
0xcd: {  	s23 =	sadd.s32 $0x20, s23  }
0xce: {  	v0 =	vmov s23;
	_ =	sdelay $0x3  }
0xcf: {  	s30 =	simm.s32 $0x0  }
0xd0: {  	v1 =	vld.idx.msk [tilespmem:v0+s30+$0x0 ss:$0x1], $0xffff;
	_ =	sdelay $0x4  }
0xd1: {  	(v2sf) =	vpush v1, $0x0;
	_ =	sdelay $0xd  }
0xd2: {  	s22 =	sadd.s32 $0x2, s22  }
0xd3: {  	s22 =	sand.u32 $0x3, s22;
	s31 =	spop (v2sf)  }
0xd4: {  	s22 =	sshll.u32 s22, $0xD;
	s23 =	sshrl.u32 s31, $0x3  }
0xd5: {  	s22 =	sor.u32 $0x180, s22;
	s23 =	sadd.s32 s3, s23  }
0xd6: {  	[tilespmem:s22], [sflag:$0x2] =	stream.linear.gather [hbm4b:s23+s2], $0x200, $0x38;
	[tilespmem:$0xC180] =	vst v63  }
0xd7: {  	s24 =	simm.s32 $0x1;
	s23 =	sadd.s32 @p1 $0x2, s20  }
0xd8: {  	s23 =	simm.s32 @!p1 $0x3;
	v1 =	vld.idx.msk [tilespmem:v0+s24+$0x0 ss:$0x1], $0xffff;
	s24 =	simm.s32 $0x8  }
.LBB2_9:
0xd9: {  	p1 =	sne.s32 s24, $0x3C;
	_ =	sdelay $0x4  }
0xda: {  	(v2sf) =	vpush v1, $0x0;
	_ =	sdelay $0xe  }
.Ltmp7:
0xdb: {  	s25 =	spop (v2sf);
	(pc) =	sbr.rel @p1 .LBB2_9-.Ltmp7, $4  }
0xdc: {  	s25 =	sshrl.u32 s25, $0x3  }
0xdd: {  	s26 =	sshra.s32 s24, $0x2;
	s22 =	sadd.s32 $0x200, s22;
	s25 =	sadd.s32 s3, s25  }
0xde: {  	[tilespmem:s22], [sflag:$0x2] =	stream.linear.gather [hbm4b:s25+s2], $0x200, $0x38;
	[tilespmem:$0xC180] =	vst v63  }
0xdf: {  	s24 =	sadd.s32 $0x4, s24;
	v1 =	vld.idx.msk [tilespmem:v0+s26+$0x0 ss:$0x1], $0xffff  }
0xe0: {  	_ =	sdelay $0x3  }
0xe1: {  	(v2sf) =	vpush v1, $0x0;
	_ =	sdelay $0xe  }
0xe2: {  	s24 =	spop (v2sf)  }
0xe3: {  	s24 =	sshrl.u32 s24, $0x3  }
0xe4: {  	s22 =	sadd.s32 $0x200, s22;
	s31 =	sshll.u32 s23, $0x9;
	s24 =	sadd.s32 s3, s24  }
0xe5: {  	[tilespmem:s22], [sflag:$0x2] =	stream.linear.gather [hbm4b:s24+s2], $0x200, $0x38;
	[tilespmem:$0xC180] =	vst v63  }
0xe6: {  	s22 =	sadd.s32 s31, s4  }
0xe7: {  	[tilespmem:s11], [sflag:$0x4] =	stream.linear.gather [hbm4b:s22+s2], $0x1000, $0x38;
	[tilespmem:$0xC180] =	vst v63  }
.LBB2_15:
0xe8: {  	s22 =	simm.s32 $0x1  }
0xe9: {  	s22 =	simm.s32 @!p0 $0x0  }
0xea: {  	s23 =	sand.u32 $0x3, s19;
	s22 =	sshll.u32 s22, $0xC  }
0xeb: {  	s23 =	sshll.u32 s23, $0xD;
	s24 =	sor.u32 $0xA200, s22;
	s25 =	sor.u32 $0x8200, s22  }
0xec: {  	s22 =	sor.u32 $0x280, s23;
	s23 =	simm.s32 $0x0;
	v0 =	vmov s25;
	v1 =	vmov s24  }
.LBB2_16:
0xed: {  	v2 =	vld [tilespmem:s22+$0x0];
	_ =	sdelay $0x4  }
0xee: {  	v2 =	vmul.f32 $1.442695020e+00, v2;
	_ =	sdelay $0x1  }
0xef: {  	(erf) = vpow2.f32 v2;
	_ =	sdelay $0x3  }
0xf0: {  	s24 =	sshra.s32 s23, $0x2  }
0xf1: {  	v2 =	vld.idx.msk [tilespmem:v0+s24+$0xFFFFFF80 ss:$0x1], $0xffff;
	_ =	sdelay $0x1  }
0xf2: {  	v3 =	vld [tilespmem:s22+$0xFFFFFF00];
	_ =	sdelay $0x1  }
0xf3: {  	v4 =	vpop (erf)  }
0xf4: {  	v2 =	vmul.f32 v4, v2;
	_ =	sdelay $0x1  }
0xf5: {  	v2 =	vadd.f32 v2, v3;
	_ =	sdelay $0x1  }
0xf6: {  	[tilespmem:v1+s24+$0xFFFFFF80 ss:$0x1] =	vst.idx.msk $0xffff, v2  }
0xf7: {  	v2 =	vld [tilespmem:s22+$0x10];
	_ =	sdelay $0x4  }
0xf8: {  	v2 =	vmul.f32 $1.442695020e+00, v2;
	_ =	sdelay $0x1  }
0xf9: {  	(erf) = vpow2.f32 v2;
	_ =	sdelay $0x4  }
0xfa: {  	v2 =	vld.idx.msk [tilespmem:v0+s24+$0xFFFFFF90 ss:$0x1], $0xffff;
	_ =	sdelay $0x1  }
0xfb: {  	v3 =	vld [tilespmem:s22+$0xFFFFFF10];
	_ =	sdelay $0x1  }
0xfc: {  	v49 =	vpop (erf)  }
0xfd: {  	v2 =	vmul.f32 v49, v2;
	_ =	sdelay $0x1  }
0xfe: {  	v2 =	vadd.f32 v2, v3;
	_ =	sdelay $0x1  }
0xff: {  	[tilespmem:v1+s24+$0xFFFFFF90 ss:$0x1] =	vst.idx.msk $0xffff, v2  }
0x100: {  	v2 =	vld [tilespmem:s22+$0x20];
	_ =	sdelay $0x4  }
0x101: {  	v2 =	vmul.f32 $1.442695020e+00, v2;
	_ =	sdelay $0x1  }
0x102: {  	(erf) = vpow2.f32 v2;
	_ =	sdelay $0x4  }
0x103: {  	v2 =	vld.idx.msk [tilespmem:v0+s24+$0xFFFFFFA0 ss:$0x1], $0xffff;
	_ =	sdelay $0x1  }
0x104: {  	v3 =	vld [tilespmem:s22+$0xFFFFFF20];
	_ =	sdelay $0x1  }
0x105: {  	v50 =	vpop (erf)  }
0x106: {  	v2 =	vmul.f32 v50, v2;
	_ =	sdelay $0x1  }
0x107: {  	v2 =	vadd.f32 v2, v3;
	_ =	sdelay $0x1  }
0x108: {  	[tilespmem:v1+s24+$0xFFFFFFA0 ss:$0x1] =	vst.idx.msk $0xffff, v2  }
0x109: {  	v2 =	vld [tilespmem:s22+$0x30];
	_ =	sdelay $0x4  }
0x10a: {  	v2 =	vmul.f32 $1.442695020e+00, v2;
	_ =	sdelay $0x1  }
0x10b: {  	(erf) = vpow2.f32 v2;
	_ =	sdelay $0x4  }
0x10c: {  	v2 =	vld.idx.msk [tilespmem:v0+s24+$0xFFFFFFB0 ss:$0x1], $0xffff;
	_ =	sdelay $0x1  }
0x10d: {  	v3 =	vld [tilespmem:s22+$0xFFFFFF30];
	_ =	sdelay $0x1  }
0x10e: {  	v51 =	vpop (erf)  }
0x10f: {  	v2 =	vmul.f32 v51, v2;
	_ =	sdelay $0x1  }
0x110: {  	v2 =	vadd.f32 v2, v3;
	_ =	sdelay $0x1  }
0x111: {  	[tilespmem:v1+s24+$0xFFFFFFB0 ss:$0x1] =	vst.idx.msk $0xffff, v2  }
0x112: {  	v2 =	vld [tilespmem:s22+$0x40];
	_ =	sdelay $0x4  }
0x113: {  	v2 =	vmul.f32 $1.442695020e+00, v2;
	_ =	sdelay $0x1  }
0x114: {  	(erf) = vpow2.f32 v2;
	_ =	sdelay $0x4  }
0x115: {  	v2 =	vld.idx.msk [tilespmem:v0+s24+$0xFFFFFFC0 ss:$0x1], $0xffff;
	_ =	sdelay $0x1  }
0x116: {  	v3 =	vld [tilespmem:s22+$0xFFFFFF40];
	_ =	sdelay $0x1  }
0x117: {  	v52 =	vpop (erf)  }
0x118: {  	v2 =	vmul.f32 v52, v2;
	_ =	sdelay $0x1  }
0x119: {  	v2 =	vadd.f32 v2, v3;
	_ =	sdelay $0x1  }
0x11a: {  	[tilespmem:v1+s24+$0xFFFFFFC0 ss:$0x1] =	vst.idx.msk $0xffff, v2  }
0x11b: {  	v2 =	vld [tilespmem:s22+$0x50];
	_ =	sdelay $0x4  }
0x11c: {  	v2 =	vmul.f32 $1.442695020e+00, v2;
	_ =	sdelay $0x1  }
0x11d: {  	(erf) = vpow2.f32 v2;
	_ =	sdelay $0x4  }
0x11e: {  	v2 =	vld.idx.msk [tilespmem:v0+s24+$0xFFFFFFD0 ss:$0x1], $0xffff;
	_ =	sdelay $0x1  }
0x11f: {  	v3 =	vld [tilespmem:s22+$0xFFFFFF50];
	_ =	sdelay $0x1  }
0x120: {  	v53 =	vpop (erf)  }
0x121: {  	v2 =	vmul.f32 v53, v2;
	_ =	sdelay $0x1  }
0x122: {  	v2 =	vadd.f32 v2, v3;
	_ =	sdelay $0x1  }
0x123: {  	[tilespmem:v1+s24+$0xFFFFFFD0 ss:$0x1] =	vst.idx.msk $0xffff, v2  }
0x124: {  	v2 =	vld [tilespmem:s22+$0x60];
	_ =	sdelay $0x4  }
0x125: {  	v2 =	vmul.f32 $1.442695020e+00, v2;
	_ =	sdelay $0x1  }
0x126: {  	(erf) = vpow2.f32 v2;
	_ =	sdelay $0x4  }
0x127: {  	v2 =	vld.idx.msk [tilespmem:v0+s24+$0xFFFFFFE0 ss:$0x1], $0xffff;
	_ =	sdelay $0x1  }
0x128: {  	v3 =	vld [tilespmem:s22+$0xFFFFFF60];
	_ =	sdelay $0x1  }
0x129: {  	v54 =	vpop (erf)  }
0x12a: {  	v2 =	vmul.f32 v54, v2;
	_ =	sdelay $0x1  }
0x12b: {  	v2 =	vadd.f32 v2, v3;
	_ =	sdelay $0x1  }
0x12c: {  	[tilespmem:v1+s24+$0xFFFFFFE0 ss:$0x1] =	vst.idx.msk $0xffff, v2  }
0x12d: {  	v2 =	vld [tilespmem:s22+$0x70];
	_ =	sdelay $0x4  }
0x12e: {  	v2 =	vmul.f32 $1.442695020e+00, v2;
	_ =	sdelay $0x1  }
0x12f: {  	(erf) = vpow2.f32 v2;
	_ =	sdelay $0x4  }
0x130: {  	v2 =	vld.idx.msk [tilespmem:v0+s24+$0xFFFFFFF0 ss:$0x1], $0xffff;
	_ =	sdelay $0x1  }
0x131: {  	v3 =	vld [tilespmem:s22+$0xFFFFFF70];
	_ =	sdelay $0x1  }
0x132: {  	v55 =	vpop (erf)  }
0x133: {  	v2 =	vmul.f32 v55, v2;
	_ =	sdelay $0x1  }
0x134: {  	v2 =	vadd.f32 v2, v3;
	_ =	sdelay $0x1  }
0x135: {  	[tilespmem:v1+s24+$0xFFFFFFF0 ss:$0x1] =	vst.idx.msk $0xffff, v2  }
0x136: {  	v2 =	vld [tilespmem:s22+$0x80];
	_ =	sdelay $0x4  }
0x137: {  	v2 =	vmul.f32 $1.442695020e+00, v2;
	_ =	sdelay $0x1  }
0x138: {  	(erf) = vpow2.f32 v2;
	_ =	sdelay $0x4  }
0x139: {  	v2 =	vld.idx.msk [tilespmem:v0+s24+$0x0 ss:$0x1], $0xffff;
	_ =	sdelay $0x1  }
0x13a: {  	v3 =	vld [tilespmem:s22+$0xFFFFFF80];
	_ =	sdelay $0x1  }
0x13b: {  	v56 =	vpop (erf)  }
0x13c: {  	v2 =	vmul.f32 v56, v2;
	_ =	sdelay $0x1  }
0x13d: {  	v2 =	vadd.f32 v2, v3;
	_ =	sdelay $0x1  }
0x13e: {  	[tilespmem:v1+s24+$0x0 ss:$0x1] =	vst.idx.msk $0xffff, v2  }
0x13f: {  	v2 =	vld [tilespmem:s22+$0x90];
	_ =	sdelay $0x4  }
0x140: {  	v2 =	vmul.f32 $1.442695020e+00, v2;
	_ =	sdelay $0x1  }
0x141: {  	(erf) = vpow2.f32 v2;
	_ =	sdelay $0x4  }
0x142: {  	v2 =	vld.idx.msk [tilespmem:v0+s24+$0x10 ss:$0x1], $0xffff;
	_ =	sdelay $0x1  }
0x143: {  	v3 =	vld [tilespmem:s22+$0xFFFFFF90];
	_ =	sdelay $0x1  }
0x144: {  	v57 =	vpop (erf)  }
0x145: {  	v2 =	vmul.f32 v57, v2;
	_ =	sdelay $0x1  }
0x146: {  	v2 =	vadd.f32 v2, v3;
	_ =	sdelay $0x1  }
0x147: {  	[tilespmem:v1+s24+$0x10 ss:$0x1] =	vst.idx.msk $0xffff, v2  }
0x148: {  	v2 =	vld [tilespmem:s22+$0xA0];
	_ =	sdelay $0x4  }
0x149: {  	v2 =	vmul.f32 $1.442695020e+00, v2;
	_ =	sdelay $0x1  }
0x14a: {  	(erf) = vpow2.f32 v2;
	_ =	sdelay $0x4  }
0x14b: {  	v2 =	vld.idx.msk [tilespmem:v0+s24+$0x20 ss:$0x1], $0xffff;
	_ =	sdelay $0x1  }
0x14c: {  	v3 =	vld [tilespmem:s22+$0xFFFFFFA0];
	_ =	sdelay $0x1  }
0x14d: {  	v58 =	vpop (erf)  }
0x14e: {  	v2 =	vmul.f32 v58, v2;
	_ =	sdelay $0x1  }
0x14f: {  	v2 =	vadd.f32 v2, v3;
	_ =	sdelay $0x1  }
0x150: {  	[tilespmem:v1+s24+$0x20 ss:$0x1] =	vst.idx.msk $0xffff, v2  }
0x151: {  	v2 =	vld [tilespmem:s22+$0xB0];
	_ =	sdelay $0x4  }
0x152: {  	v2 =	vmul.f32 $1.442695020e+00, v2;
	_ =	sdelay $0x1  }
0x153: {  	(erf) = vpow2.f32 v2;
	_ =	sdelay $0x4  }
0x154: {  	v2 =	vld.idx.msk [tilespmem:v0+s24+$0x30 ss:$0x1], $0xffff;
	_ =	sdelay $0x1  }
0x155: {  	v3 =	vld [tilespmem:s22+$0xFFFFFFB0];
	_ =	sdelay $0x1  }
0x156: {  	v59 =	vpop (erf)  }
0x157: {  	v2 =	vmul.f32 v59, v2;
	_ =	sdelay $0x1  }
0x158: {  	v2 =	vadd.f32 v2, v3;
	_ =	sdelay $0x1  }
0x159: {  	[tilespmem:v1+s24+$0x30 ss:$0x1] =	vst.idx.msk $0xffff, v2  }
0x15a: {  	v2 =	vld [tilespmem:s22+$0xC0];
	_ =	sdelay $0x4  }
0x15b: {  	v2 =	vmul.f32 $1.442695020e+00, v2;
	_ =	sdelay $0x1  }
0x15c: {  	(erf) = vpow2.f32 v2;
	_ =	sdelay $0x4  }
0x15d: {  	v2 =	vld.idx.msk [tilespmem:v0+s24+$0x40 ss:$0x1], $0xffff;
	_ =	sdelay $0x1  }
0x15e: {  	v3 =	vld [tilespmem:s22+$0xFFFFFFC0];
	_ =	sdelay $0x1  }
0x15f: {  	v60 =	vpop (erf)  }
0x160: {  	v2 =	vmul.f32 v60, v2;
	_ =	sdelay $0x1  }
0x161: {  	v2 =	vadd.f32 v2, v3;
	_ =	sdelay $0x1  }
0x162: {  	[tilespmem:v1+s24+$0x40 ss:$0x1] =	vst.idx.msk $0xffff, v2  }
0x163: {  	v2 =	vld [tilespmem:s22+$0xD0];
	_ =	sdelay $0x4  }
0x164: {  	v2 =	vmul.f32 $1.442695020e+00, v2;
	_ =	sdelay $0x1  }
0x165: {  	(erf) = vpow2.f32 v2;
	_ =	sdelay $0x4  }
0x166: {  	v2 =	vld.idx.msk [tilespmem:v0+s24+$0x50 ss:$0x1], $0xffff;
	_ =	sdelay $0x1  }
0x167: {  	v3 =	vld [tilespmem:s22+$0xFFFFFFD0];
	_ =	sdelay $0x1  }
0x168: {  	v61 =	vpop (erf)  }
0x169: {  	v2 =	vmul.f32 v61, v2;
	_ =	sdelay $0x1  }
0x16a: {  	v2 =	vadd.f32 v2, v3;
	_ =	sdelay $0x1  }
0x16b: {  	[tilespmem:v1+s24+$0x50 ss:$0x1] =	vst.idx.msk $0xffff, v2  }
0x16c: {  	v2 =	vld [tilespmem:s22+$0xE0];
	_ =	sdelay $0x4  }
0x16d: {  	v2 =	vmul.f32 $1.442695020e+00, v2;
	_ =	sdelay $0x1  }
0x16e: {  	(erf) = vpow2.f32 v2;
	_ =	sdelay $0x4  }
0x16f: {  	v2 =	vld.idx.msk [tilespmem:v0+s24+$0x60 ss:$0x1], $0xffff;
	_ =	sdelay $0x1  }
0x170: {  	v3 =	vld [tilespmem:s22+$0xFFFFFFE0];
	_ =	sdelay $0x1  }
0x171: {  	v62 =	vpop (erf)  }
0x172: {  	v2 =	vmul.f32 v62, v2;
	_ =	sdelay $0x1  }
0x173: {  	v2 =	vadd.f32 v2, v3;
	_ =	sdelay $0x1  }
0x174: {  	[tilespmem:v1+s24+$0x60 ss:$0x1] =	vst.idx.msk $0xffff, v2  }
0x175: {  	v2 =	vld [tilespmem:s22+$0xF0];
	_ =	sdelay $0x4  }
0x176: {  	v2 =	vmul.f32 $1.442695020e+00, v2;
	_ =	sdelay $0x1  }
0x177: {  	(erf) = vpow2.f32 v2;
	_ =	sdelay $0x4  }
0x178: {  	v2 =	vld.idx.msk [tilespmem:v0+s24+$0x70 ss:$0x1], $0xffff;
	_ =	sdelay $0x1  }
0x179: {  	v3 =	vld [tilespmem:s22+$0xFFFFFFF0];
	_ =	sdelay $0x1  }
0x17a: {  	p1 =	sne.s32 s23, $0x3C00;
	v63 =	vpop (erf)  }
.Ltmp8:
0x17b: {  	v2 =	vmul.f32 v63, v2;
	(pc) =	sbr.rel @p1 .LBB2_16-.Ltmp8, $3  }
0x17c: {  	_ = 	snop  }
0x17d: {  	v2 =	vadd.f32 v2, v3;
	_ =	sdelay $0x1  }
0x17e: {  	s23 =	sadd.s32 $0x400, s23;
	s22 =	sadd.s32 $0x200, s22;
	[tilespmem:v1+s24+$0x70 ss:$0x1] =	vst.idx.msk $0xffff, v2  }
0x17f: {  	p1 =	sne.s32 s21, $0x0;
	s31 =	sshll.u32 s20, $0x9  }
0x180: {  	s21 =	sadd.s32 s31, s7;
	s22 =	simm.s32 @p1 $0x0;
	s23 =	simm.s32 @p1 $0xB180  }
0x181: {  	[hbm4b:s21+s22] =	stream.linear.scatter @p1 [tilespmem:s23], [sflag:$0x6], $0x1000, $0x38;
	[tilespmem:$0xC180] =	vst v63  }
0x182: {  	s20 =	sadd.s32 $0x1, s20;
	s22 =	simm.s32 @!p1 $0x0;
	s23 =	simm.s32 @!p1 $0xA180  }
0x183: {  	[hbm4b:s21+s22] =	stream.linear.scatter @!p1 [tilespmem:s23], [sflag:$0x5], $0x1000, $0x38;
	[tilespmem:$0xC180] =	vst v63  }
0x184: {  	p1 =	sne.s32 s20, $0x10  }
.Ltmp9:
0x185: {  	_ = 	snop;
	(pc) =	sbr.rel @p1 .LBB2_6-.Ltmp9, $2  }
0x186: {  	_ =	sdelay $0x2  }
0x187: {  	s19 =	sadd.s32 $0x1, s19;
	p0 =	por !p0, !p0  }
0x188: {  	s18 =	sadd.s32 $0x1, s18  }
0x189: {  	_ =	swait.ge [sflag:s15], $0x1000;
	p0 =	sne.s32 s18, s8  }
.Ltmp10:
0x18a: {  	[sflag:s15] =	ssyncset.done $0x0;
	(pc) =	sbr.rel @p0 .LBB2_1-.Ltmp10, $4  }
0x18b: {  	[sflag:s15] =	ssyncadd.s32 $0xFFFFF000  }
0x18c: {  	_ =	swait.ge [sflag:s16], $0x1000  }
0x18d: {  	[sflag:s16] =	ssyncset.done $0x0  }
0x18e: {  	[sflag:s16] =	ssyncadd.s32 $0xFFFFF000  }
0x18f: {  	_ =	sfence.sel $0x180000  }
0x190: {  	[bflag:$0x0] =	sbarrier.arrive $0xFFFF  }
0x191: {  	p0 =	sne.s32 s1, $0x0;
	_ =	strace $0x90000047  }
0x192: {  	s0 =	sadd.s32 @!p0 $0x100000, s0;
	[bflag:$0x2] =	sbarrier.arrive $0xFFFF  }
0x193: {  	[sflag:s0] =	ssyncadd.tile.s32 @!p0 $0x1;
	_ =	shalt  }
.Lfunc_end2:
_tile_overlayer_lowered:
.L_overlay_start_2:
0x194: {  	(tag) =	ssettag $0x2  }
0x195: {  	s0 =	rddreg [dreg:$0x0];
	s2 =	stileid.u32  }
0x196: {  	s1 =	rddreg [dreg:$0x1];
	p0 =	sne.s32 s2, $0x0  }
0x197: {  	s3 =	rddreg [dreg:$0x2];
	[bflag:$0x3] =	sbarrier.arrive $0xFFFF;
	s2 =	simm.s32 @!p0 $0x1C07  }
0x198: {  	[timem:s3], [sflag:s2] =	dma.local @!p0 [hbm:s0], s1  }
0x199: {  	s0 =	simm.s32 @!p0 $0x7  }
0x19a: {  	_ =	swait.ge @!p0 [sflag:s0], s1  }
0x19b: {  	s1 =	ssub.s32 @!p0 $0x0, s1;
	[sflag:s0] =	ssyncset.done @!p0 $0x0  }
0x19c: {  	[sflag:s0] =	ssyncadd.s32 @!p0 s1  }
0x19d: {  	[bflag:$0x3] =	sbarrier.arrive $0xFFFF  }
0x19e: {  	_ =	shalt  }

</sc_bundles>
